<compile_context>
chip_gen: v7x
topology: tpu7x:2x2x1
jax: 0.10.2.dev20260603
libtpu: 0.0.44.dev20260713+nightly
codegen_flags: <defaults>
</compile_context>

<pallas_src>
import jax
import jax.numpy as jnp
from jax import lax
from jax.experimental import pallas as pl
from jax.experimental.pallas import tpu as pltpu
from jax.experimental.pallas import tpu_sc as plsc

B, K, C, NPOINT = 16, 16384, 256, 4096
NC, NS, L = 2, 16, 16
NW = NC * NS
WPB = NW // B
CH_W = C // WPB
PT_W = NPOINT // WPB
ROWS = 2
RK = ROWS * K
RN = ROWS * NPOINT
NBLK = CH_W // ROWS


def _sc_gather_body(xyz_hbm, feat_hbm, idx_hbm, oxyz_hbm, ofeat_hbm,
                    idx_v, rows_v, fout_v, xout_v,
                    sin0, sin1, sout0, sout1):
    cid = lax.axis_index("c")
    sid = lax.axis_index("s")
    wid = sid * NC + cid
    b = wid // WPB
    half = wid % WPB
    ch0 = half * CH_W
    p0 = half * PT_W

    lane = jnp.arange(L, dtype=jnp.int32)

    pltpu.sync_copy(idx_hbm.at[b], idx_v)

    for j in range(3):
        pltpu.sync_copy(xyz_hbm.at[j, b], rows_v.at[pl.ds(j * K, K)])

    def xyz_step(i, _):
        iv = idx_v[pl.ds(p0 + i * L, L)]
        for j in range(3):
            v = plsc.load_gather(rows_v, [iv + j * K])
            xout_v[pl.ds(j * PT_W + i * L, L)] = v
        return 0

    lax.fori_loop(0, PT_W // L, xyz_step, 0, unroll=4)
    for j in range(3):
        pltpu.sync_copy(xout_v.at[pl.ds(j * PT_W, PT_W)],
                        oxyz_hbm.at[j, b, pl.ds(p0, PT_W)])

    sins = (sin0, sin1)
    souts = (sout0, sout1)

    def in_descs(blk, s):
        ch = ch0 + blk * ROWS
        return [
            pltpu.make_async_copy(feat_hbm.at[b, ch + r],
                                  rows_v.at[pl.ds((s * ROWS + r) * K, K)],
                                  sins[s])
            for r in range(ROWS)
        ]

    def out_descs(blk, s):
        ch = ch0 + blk * ROWS
        return [
            pltpu.make_async_copy(fout_v.at[pl.ds((s * ROWS + r) * NPOINT,
                                                  NPOINT)],
                                  ofeat_hbm.at[b, ch + r],
                                  souts[s])
            for r in range(ROWS)
        ]

    for s in range(2):
        for d in in_descs(s, s):
            d.start()

    def outer(g, _):
        for s in range(2):
            blk = g * 2 + s
            for d in in_descs(blk, s):
                d.wait()

            @pl.when(blk >= 2)
            def _():
                for d in out_descs(blk - 2, s):
                    d.wait()

            def gstep(i, _):
                iv = idx_v[pl.ds(i * L, L)]
                for r in range(ROWS):
                    v = plsc.load_gather(rows_v, [iv + (s * ROWS + r) * K])
                    fout_v[pl.ds((s * ROWS + r) * NPOINT + i * L, L)] = v
                return 0

            lax.fori_loop(0, NPOINT // L, gstep, 0, unroll=4)
            for d in out_descs(blk, s):
                d.start()

            @pl.when(blk + 2 < NBLK)
            def _():
                for d in in_descs(blk + 2, s):
                    d.start()
        return 0

    lax.fori_loop(0, NBLK // 2, outer, 0)
    for s in range(2):
        for d in out_descs(NBLK - 2 + s, s):
            d.wait()


@jax.jit
def _sc_gather(xyz_t, features, sample_inds):
    mesh = plsc.VectorSubcoreMesh(core_axis_name="c", subcore_axis_name="s",
                                  num_cores=NC, num_subcores=NS)
    return pl.kernel(
        _sc_gather_body,
        out_type=(
            jax.ShapeDtypeStruct((3, B, NPOINT), jnp.float32),
            jax.ShapeDtypeStruct((B, C, NPOINT), jnp.float32),
        ),
        mesh=mesh,
        compiler_params=pltpu.CompilerParams(needs_layout_passes=False),
        scratch_types=[
            pltpu.VMEM((NPOINT,), jnp.int32),
            pltpu.VMEM((2 * RK,), jnp.float32),
            pltpu.VMEM((2 * RN,), jnp.float32),
            pltpu.VMEM((3 * PT_W,), jnp.float32),
            pltpu.SemaphoreType.DMA,
            pltpu.SemaphoreType.DMA,
            pltpu.SemaphoreType.DMA,
            pltpu.SemaphoreType.DMA,
        ],
    )(xyz_t, features, sample_inds)


def kernel(xyz, features, sample_inds):
    oxyz_t, ofeat = _sc_gather(jnp.transpose(xyz, (2, 0, 1)),
                               features, sample_inds)
    return (jnp.transpose(oxyz_t, (1, 2, 0)), ofeat, sample_inds)

# --- scband reference (transcript-rebuilt; emitter-appended) ---
"""Pipeline reference for scband-general-sampling-module-3272765080274 (READ-ONLY COPY).

The authoritative reference and input builder live on the scoring server;
editing this copy changes nothing except your own understanding.
"""

import jax, jax.numpy as jnp
import numpy as np


def setup_inputs(seed: int = 0) -> dict:
    key = jax.random.key(seed)
    k1, k2, k3 = jax.random.split(key, 3)
    B, K, C, npoint = 16, 16384, 256, 4096
    xyz = jax.random.normal(k1, (B, K, 3), dtype=jnp.float32)
    features = jax.random.normal(k2, (B, C, K), dtype=jnp.float32)
    sample_inds = jax.random.randint(k3, (B, npoint), 0, K, dtype=jnp.int32)
    return {"xyz": xyz, "features": features, "sample_inds": sample_inds}


def reference(xyz, features, sample_inds):
    # gather_operation(features (B,C,K), idx (B,npoint)) -> (B,C,npoint)
    # xyz path: transpose to (B,3,K), gather, transpose back -> (B,npoint,3)
    # which is equivalent to gathering along the point axis of xyz directly.
    new_xyz = jnp.take_along_axis(xyz, sample_inds[:, :, None].astype(jnp.int32), axis=1)
    new_features = jnp.take_along_axis(features, sample_inds[:, None, :].astype(jnp.int32), axis=2)
    return (new_xyz, new_features, sample_inds)

if __name__ == "__main__":
    import jax
    _d = setup_inputs()
    print(jax.jit(kernel)(*tuple(_d.values())))

</pallas_src>

<mosaic_0001>
#map = affine_map<(d0, d1) -> (0, 0, 0)>
#map1 = affine_map<(d0, d1) -> (0, 0)>
module attributes {stable_mosaic.version = 14 : i64} {
  func.func @_sc_gather_body(%arg0: i32, %arg1: i32, %arg2: memref<3x16x16384xf32, #tpu.memory_space<hbm>>, %arg3: memref<16x256x16384xf32, #tpu.memory_space<hbm>>, %arg4: memref<16x4096xi32, #tpu.memory_space<hbm>>, %arg5: memref<3x16x4096xf32, #tpu.memory_space<hbm>>, %arg6: memref<16x256x4096xf32, #tpu.memory_space<hbm>>, %arg7: memref<4096xi32, #tpu.memory_space<vmem>>, %arg8: memref<65536xf32, #tpu.memory_space<vmem>>, %arg9: memref<16384xf32, #tpu.memory_space<vmem>>, %arg10: memref<6144xf32, #tpu.memory_space<vmem>>, %arg11: memref<!tpu.dma_semaphore, #tpu.memory_space<semaphore_mem>>, %arg12: memref<!tpu.dma_semaphore, #tpu.memory_space<semaphore_mem>>, %arg13: memref<!tpu.dma_semaphore, #tpu.memory_space<semaphore_mem>>, %arg14: memref<!tpu.dma_semaphore, #tpu.memory_space<semaphore_mem>>) attributes {dimension_semantics = [#tpu.dimension_semantics<core_parallel>, #tpu.dimension_semantics<subcore_parallel>], iteration_bounds = array<i64: 2, 16>, scalar_prefetch = 0 : i64, scratch_operands = 8 : i64, tpu.core_type = #tpu.core_type<sc_vector_subcore>, window_params = [{transform_indices = #map}, {transform_indices = #map}, {transform_indices = #map1}, {transform_indices = #map}, {transform_indices = #map}]} {
    %mul3A = arith.constant 2 : i32
    %mul3A_0 = arith.muli %arg1, %mul3A : i32
    %add3A = arith.addi %mul3A_0, %arg0 : i32
    %jit3A = arith.constant 2 : i32
    %div3A = arith.divsi %add3A, %jit3A : i32
    %sign3A = arith.constant 0 : i32
    %sign3A_1 = arith.cmpi sgt, %add3A, %sign3A : i32
    %sign3A_2 = arith.extui %sign3A_1 : i1 to i32
    %sign3A_3 = arith.constant 0 : i32
    %sign3A_4 = arith.cmpi slt, %add3A, %sign3A_3 : i32
    %sign3A_5 = arith.extui %sign3A_4 : i1 to i32
    %sign3A_6 = arith.subi %sign3A_2, %sign3A_5 : i32
    %sign3A_7 = arith.constant 0 : i32
    %sign3A_8 = arith.cmpi sgt, %jit3A, %sign3A_7 : i32
    %sign3A_9 = arith.extui %sign3A_8 : i1 to i32
    %sign3A_10 = arith.constant 0 : i32
    %sign3A_11 = arith.cmpi slt, %jit3A, %sign3A_10 : i32
    %sign3A_12 = arith.extui %sign3A_11 : i1 to i32
    %sign3A_13 = arith.subi %sign3A_9, %sign3A_12 : i32
    %ne3A = arith.cmpi ne, %sign3A_6, %sign3A_13 : i32
    %rem3A = arith.remsi %add3A, %jit3A : i32
    %ne3A_14 = arith.constant 0 : i32
    %ne3A_15 = arith.cmpi ne, %rem3A, %ne3A_14 : i32
    %and3A = arith.andi %ne3A, %ne3A_15 : i1
    %sub3A = arith.constant 1 : i32
    %sub3A_16 = arith.subi %div3A, %sub3A : i32
    %select_n3A = arith.select %and3A, %sub3A_16, %div3A : i32
    %jit3A_17 = arith.constant 2 : i32
    %eq3A = arith.constant 0 : i32
    %eq3A_18 = arith.cmpi eq, %jit3A_17, %eq3A : i32
    %jit3A_19 = arith.constant 1 : i32
    %select_n3A_20 = arith.select %eq3A_18, %jit3A_19, %jit3A_17 : i32
    %rem3A_21 = arith.remsi %add3A, %select_n3A_20 : i32
    %ne3A_22 = arith.constant 0 : i32
    %ne3A_23 = arith.cmpi ne, %rem3A_21, %ne3A_22 : i32
    %lt3A = arith.constant 0 : i32
    %lt3A_24 = arith.cmpi slt, %rem3A_21, %lt3A : i32
    %lt3A_25 = arith.constant 0 : i32
    %lt3A_26 = arith.cmpi slt, %select_n3A_20, %lt3A_25 : i32
    %ne3A_27 = arith.xori %lt3A_24, %lt3A_26 : i1
    %and3A_28 = arith.andi %ne3A_27, %ne3A_23 : i1
    %add3A_29 = arith.addi %rem3A_21, %select_n3A_20 : i32
    %select_n3A_30 = arith.select %and3A_28, %add3A_29, %rem3A_21 : i32
    %mul3A_31 = arith.constant 128 : i32
    %mul3A_32 = arith.muli %select_n3A_30, %mul3A_31 : i32
    %mul3A_33 = arith.constant 2048 : i32
    %mul3A_34 = arith.muli %select_n3A_30, %mul3A_33 : i32
    %iota3A = tpu.iota {dimensions = array<i32: 0>} : vector<16xi32>
    "tpu.region"() ({
      %run_scoped3A_155 = tpu.sem_alloc : memref<!tpu.dma_semaphore, #tpu.memory_space<semaphore_mem>>
      %dma_start3A_156 = arith.constant 0 : i32
      %dma_start3A_157 = tpu.memref_slice %arg4[%select_n3A, %dma_start3A_156] : memref<16x4096xi32, #tpu.memory_space<hbm>> -> memref<1x4096xi32, #tpu.memory_space<hbm>>
      %dma_start3A_158 = tpu.memref_squeeze %dma_start3A_157 : memref<1x4096xi32, #tpu.memory_space<hbm>> -> memref<4096xi32, #tpu.memory_space<hbm>>
      %dma_start3A_159 = arith.constant 0 : i32
      %dma_start3A_160 = tpu.memref_slice %arg4[%select_n3A, %dma_start3A_159] : memref<16x4096xi32, #tpu.memory_space<hbm>> -> memref<1x4096xi32, #tpu.memory_space<hbm>>
      %dma_start3A_161 = tpu.memref_squeeze %dma_start3A_160 : memref<1x4096xi32, #tpu.memory_space<hbm>> -> memref<4096xi32, #tpu.memory_space<hbm>>
      tpu.enqueue_dma source(%dma_start3A_161 : memref<4096xi32, #tpu.memory_space<hbm>>) target(%arg7 : memref<4096xi32, #tpu.memory_space<vmem>>) target_semaphore(%run_scoped3A_155 : memref<!tpu.dma_semaphore, #tpu.memory_space<semaphore_mem>>)
      %dma_wait3A_162 = arith.constant 0 : i32
      %dma_wait3A_163 = tpu.memref_slice %arg4[%select_n3A, %dma_wait3A_162] : memref<16x4096xi32, #tpu.memory_space<hbm>> -> memref<1x4096xi32, #tpu.memory_space<hbm>>
      %dma_wait3A_164 = tpu.memref_squeeze %dma_wait3A_163 : memref<1x4096xi32, #tpu.memory_space<hbm>> -> memref<4096xi32, #tpu.memory_space<hbm>>
      %dma_wait3A_165 = arith.constant 0 : i32
      %dma_wait3A_166 = tpu.memref_slice %arg4[%select_n3A, %dma_wait3A_165] : memref<16x4096xi32, #tpu.memory_space<hbm>> -> memref<1x4096xi32, #tpu.memory_space<hbm>>
      %dma_wait3A_167 = tpu.memref_squeeze %dma_wait3A_166 : memref<1x4096xi32, #tpu.memory_space<hbm>> -> memref<4096xi32, #tpu.memory_space<hbm>>
      tpu.wait_dma2 semaphore(%run_scoped3A_155 : memref<!tpu.dma_semaphore, #tpu.memory_space<semaphore_mem>>) src(%dma_wait3A_167 : memref<4096xi32, #tpu.memory_space<hbm>>) dst(%arg7 : memref<4096xi32, #tpu.memory_space<vmem>>)
      tpu.yield
    }) : () -> ()
    %run_scoped3A = arith.constant 0 : i32
    "tpu.region"() ({
      %run_scoped3A_155 = tpu.sem_alloc : memref<!tpu.dma_semaphore, #tpu.memory_space<semaphore_mem>>
      %dma_start3A_156 = arith.constant 0 : i32
      %dma_start3A_157 = tpu.memref_slice %arg8[%dma_start3A_156] : memref<65536xf32, #tpu.memory_space<vmem>> -> memref<16384xf32, #tpu.memory_space<vmem>>
      %dma_start3A_158 = arith.constant 0 : i32
      %dma_start3A_159 = tpu.memref_slice %arg2[%run_scoped3A, %select_n3A, %dma_start3A_158] : memref<3x16x16384xf32, #tpu.memory_space<hbm>> -> memref<1x1x16384xf32, #tpu.memory_space<hbm>>
      %dma_start3A_160 = tpu.memref_squeeze %dma_start3A_159 : memref<1x1x16384xf32, #tpu.memory_space<hbm>> -> memref<16384xf32, #tpu.memory_space<hbm>>
      %dma_start3A_161 = arith.constant 0 : i32
      %dma_start3A_162 = tpu.memref_slice %arg8[%dma_start3A_161] : memref<65536xf32, #tpu.memory_space<vmem>> -> memref<16384xf32, #tpu.memory_space<vmem>>
      %dma_start3A_163 = arith.constant 0 : i32
      %dma_start3A_164 = tpu.memref_slice %arg2[%run_scoped3A, %select_n3A, %dma_start3A_163] : memref<3x16x16384xf32, #tpu.memory_space<hbm>> -> memref<1x1x16384xf32, #tpu.memory_space<hbm>>
      %dma_start3A_165 = tpu.memref_squeeze %dma_start3A_164 : memref<1x1x16384xf32, #tpu.memory_space<hbm>> -> memref<16384xf32, #tpu.memory_space<hbm>>
      tpu.enqueue_dma source(%dma_start3A_165 : memref<16384xf32, #tpu.memory_space<hbm>>) target(%dma_start3A_162 : memref<16384xf32, #tpu.memory_space<vmem>>) target_semaphore(%run_scoped3A_155 : memref<!tpu.dma_semaphore, #tpu.memory_space<semaphore_mem>>)
      %dma_wait3A_166 = arith.constant 0 : i32
      %dma_wait3A_167 = tpu.memref_slice %arg8[%dma_wait3A_166] : memref<65536xf32, #tpu.memory_space<vmem>> -> memref<16384xf32, #tpu.memory_space<vmem>>
      %dma_wait3A_168 = arith.constant 0 : i32
      %dma_wait3A_169 = tpu.memref_slice %arg2[%run_scoped3A, %select_n3A, %dma_wait3A_168] : memref<3x16x16384xf32, #tpu.memory_space<hbm>> -> memref<1x1x16384xf32, #tpu.memory_space<hbm>>
      %dma_wait3A_170 = tpu.memref_squeeze %dma_wait3A_169 : memref<1x1x16384xf32, #tpu.memory_space<hbm>> -> memref<16384xf32, #tpu.memory_space<hbm>>
      %dma_wait3A_171 = arith.constant 0 : i32
      %dma_wait3A_172 = tpu.memref_slice %arg8[%dma_wait3A_171] : memref<65536xf32, #tpu.memory_space<vmem>> -> memref<16384xf32, #tpu.memory_space<vmem>>
      %dma_wait3A_173 = arith.constant 0 : i32
      %dma_wait3A_174 = tpu.memref_slice %arg2[%run_scoped3A, %select_n3A, %dma_wait3A_173] : memref<3x16x16384xf32, #tpu.memory_space<hbm>> -> memref<1x1x16384xf32, #tpu.memory_space<hbm>>
      %dma_wait3A_175 = tpu.memref_squeeze %dma_wait3A_174 : memref<1x1x16384xf32, #tpu.memory_space<hbm>> -> memref<16384xf32, #tpu.memory_space<hbm>>
      tpu.wait_dma2 semaphore(%run_scoped3A_155 : memref<!tpu.dma_semaphore, #tpu.memory_space<semaphore_mem>>) src(%dma_wait3A_175 : memref<16384xf32, #tpu.memory_space<hbm>>) dst(%dma_wait3A_172 : memref<16384xf32, #tpu.memory_space<vmem>>)
      tpu.yield
    }) : () -> ()
    %run_scoped3A_35 = arith.constant 1 : i32
    "tpu.region"() ({
      %run_scoped3A_155 = tpu.sem_alloc : memref<!tpu.dma_semaphore, #tpu.memory_space<semaphore_mem>>
      %dma_start3A_156 = arith.constant 16384 : i32
      %dma_start3A_157 = tpu.memref_slice %arg8[%dma_start3A_156] : memref<65536xf32, #tpu.memory_space<vmem>> -> memref<16384xf32, #tpu.memory_space<vmem>>
      %dma_start3A_158 = arith.constant 0 : i32
      %dma_start3A_159 = tpu.memref_slice %arg2[%run_scoped3A_35, %select_n3A, %dma_start3A_158] : memref<3x16x16384xf32, #tpu.memory_space<hbm>> -> memref<1x1x16384xf32, #tpu.memory_space<hbm>>
      %dma_start3A_160 = tpu.memref_squeeze %dma_start3A_159 : memref<1x1x16384xf32, #tpu.memory_space<hbm>> -> memref<16384xf32, #tpu.memory_space<hbm>>
      %dma_start3A_161 = arith.constant 16384 : i32
      %dma_start3A_162 = tpu.memref_slice %arg8[%dma_start3A_161] : memref<65536xf32, #tpu.memory_space<vmem>> -> memref<16384xf32, #tpu.memory_space<vmem>>
      %dma_start3A_163 = arith.constant 0 : i32
      %dma_start3A_164 = tpu.memref_slice %arg2[%run_scoped3A_35, %select_n3A, %dma_start3A_163] : memref<3x16x16384xf32, #tpu.memory_space<hbm>> -> memref<1x1x16384xf32, #tpu.memory_space<hbm>>
      %dma_start3A_165 = tpu.memref_squeeze %dma_start3A_164 : memref<1x1x16384xf32, #tpu.memory_space<hbm>> -> memref<16384xf32, #tpu.memory_space<hbm>>
      tpu.enqueue_dma source(%dma_start3A_165 : memref<16384xf32, #tpu.memory_space<hbm>>) target(%dma_start3A_162 : memref<16384xf32, #tpu.memory_space<vmem>>) target_semaphore(%run_scoped3A_155 : memref<!tpu.dma_semaphore, #tpu.memory_space<semaphore_mem>>)
      %dma_wait3A_166 = arith.constant 16384 : i32
      %dma_wait3A_167 = tpu.memref_slice %arg8[%dma_wait3A_166] : memref<65536xf32, #tpu.memory_space<vmem>> -> memref<16384xf32, #tpu.memory_space<vmem>>
      %dma_wait3A_168 = arith.constant 0 : i32
      %dma_wait3A_169 = tpu.memref_slice %arg2[%run_scoped3A_35, %select_n3A, %dma_wait3A_168] : memref<3x16x16384xf32, #tpu.memory_space<hbm>> -> memref<1x1x16384xf32, #tpu.memory_space<hbm>>
      %dma_wait3A_170 = tpu.memref_squeeze %dma_wait3A_169 : memref<1x1x16384xf32, #tpu.memory_space<hbm>> -> memref<16384xf32, #tpu.memory_space<hbm>>
      %dma_wait3A_171 = arith.constant 16384 : i32
      %dma_wait3A_172 = tpu.memref_slice %arg8[%dma_wait3A_171] : memref<65536xf32, #tpu.memory_space<vmem>> -> memref<16384xf32, #tpu.memory_space<vmem>>
      %dma_wait3A_173 = arith.constant 0 : i32
      %dma_wait3A_174 = tpu.memref_slice %arg2[%run_scoped3A_35, %select_n3A, %dma_wait3A_173] : memref<3x16x16384xf32, #tpu.memory_space<hbm>> -> memref<1x1x16384xf32, #tpu.memory_space<hbm>>
      %dma_wait3A_175 = tpu.memref_squeeze %dma_wait3A_174 : memref<1x1x16384xf32, #tpu.memory_space<hbm>> -> memref<16384xf32, #tpu.memory_space<hbm>>
      tpu.wait_dma2 semaphore(%run_scoped3A_155 : memref<!tpu.dma_semaphore, #tpu.memory_space<semaphore_mem>>) src(%dma_wait3A_175 : memref<16384xf32, #tpu.memory_space<hbm>>) dst(%dma_wait3A_172 : memref<16384xf32, #tpu.memory_space<vmem>>)
      tpu.yield
    }) : () -> ()
    %run_scoped3A_36 = arith.constant 2 : i32
    "tpu.region"() ({
      %run_scoped3A_155 = tpu.sem_alloc : memref<!tpu.dma_semaphore, #tpu.memory_space<semaphore_mem>>
      %dma_start3A_156 = arith.constant 32768 : i32
      %dma_start3A_157 = tpu.memref_slice %arg8[%dma_start3A_156] : memref<65536xf32, #tpu.memory_space<vmem>> -> memref<16384xf32, #tpu.memory_space<vmem>>
      %dma_start3A_158 = arith.constant 0 : i32
      %dma_start3A_159 = tpu.memref_slice %arg2[%run_scoped3A_36, %select_n3A, %dma_start3A_158] : memref<3x16x16384xf32, #tpu.memory_space<hbm>> -> memref<1x1x16384xf32, #tpu.memory_space<hbm>>
      %dma_start3A_160 = tpu.memref_squeeze %dma_start3A_159 : memref<1x1x16384xf32, #tpu.memory_space<hbm>> -> memref<16384xf32, #tpu.memory_space<hbm>>
      %dma_start3A_161 = arith.constant 32768 : i32
      %dma_start3A_162 = tpu.memref_slice %arg8[%dma_start3A_161] : memref<65536xf32, #tpu.memory_space<vmem>> -> memref<16384xf32, #tpu.memory_space<vmem>>
      %dma_start3A_163 = arith.constant 0 : i32
      %dma_start3A_164 = tpu.memref_slice %arg2[%run_scoped3A_36, %select_n3A, %dma_start3A_163] : memref<3x16x16384xf32, #tpu.memory_space<hbm>> -> memref<1x1x16384xf32, #tpu.memory_space<hbm>>
      %dma_start3A_165 = tpu.memref_squeeze %dma_start3A_164 : memref<1x1x16384xf32, #tpu.memory_space<hbm>> -> memref<16384xf32, #tpu.memory_space<hbm>>
      tpu.enqueue_dma source(%dma_start3A_165 : memref<16384xf32, #tpu.memory_space<hbm>>) target(%dma_start3A_162 : memref<16384xf32, #tpu.memory_space<vmem>>) target_semaphore(%run_scoped3A_155 : memref<!tpu.dma_semaphore, #tpu.memory_space<semaphore_mem>>)
      %dma_wait3A_166 = arith.constant 32768 : i32
      %dma_wait3A_167 = tpu.memref_slice %arg8[%dma_wait3A_166] : memref<65536xf32, #tpu.memory_space<vmem>> -> memref<16384xf32, #tpu.memory_space<vmem>>
      %dma_wait3A_168 = arith.constant 0 : i32
      %dma_wait3A_169 = tpu.memref_slice %arg2[%run_scoped3A_36, %select_n3A, %dma_wait3A_168] : memref<3x16x16384xf32, #tpu.memory_space<hbm>> -> memref<1x1x16384xf32, #tpu.memory_space<hbm>>
      %dma_wait3A_170 = tpu.memref_squeeze %dma_wait3A_169 : memref<1x1x16384xf32, #tpu.memory_space<hbm>> -> memref<16384xf32, #tpu.memory_space<hbm>>
      %dma_wait3A_171 = arith.constant 32768 : i32
      %dma_wait3A_172 = tpu.memref_slice %arg8[%dma_wait3A_171] : memref<65536xf32, #tpu.memory_space<vmem>> -> memref<16384xf32, #tpu.memory_space<vmem>>
      %dma_wait3A_173 = arith.constant 0 : i32
      %dma_wait3A_174 = tpu.memref_slice %arg2[%run_scoped3A_36, %select_n3A, %dma_wait3A_173] : memref<3x16x16384xf32, #tpu.memory_space<hbm>> -> memref<1x1x16384xf32, #tpu.memory_space<hbm>>
      %dma_wait3A_175 = tpu.memref_squeeze %dma_wait3A_174 : memref<1x1x16384xf32, #tpu.memory_space<hbm>> -> memref<16384xf32, #tpu.memory_space<hbm>>
      tpu.wait_dma2 semaphore(%run_scoped3A_155 : memref<!tpu.dma_semaphore, #tpu.memory_space<semaphore_mem>>) src(%dma_wait3A_175 : memref<16384xf32, #tpu.memory_space<hbm>>) dst(%dma_wait3A_172 : memref<16384xf32, #tpu.memory_space<vmem>>)
      tpu.yield
    }) : () -> ()
    %scan3A = arith.constant 0 : i32
    %scan3A_37 = arith.constant 0 : i32
    %scan3A_38 = arith.constant 128 : i32
    %scan3A_39 = arith.addi %scan3A_37, %scan3A_38 : i32
    %scan3A_40 = arith.constant 4 : i32
    %scan3A_41 = scf.for %scan3A_155 = %scan3A_37 to %scan3A_39 step %scan3A_40 iter_args(%scan3A_156 = %scan3A) -> (i32)  : i32 {
      %mul3A_157 = arith.constant 16 : i32
      %mul3A_158 = arith.muli %scan3A_155, %mul3A_157 : i32
      %add3A_159 = arith.addi %mul3A_34, %mul3A_158 : i32
      %get3A = arith.index_cast %add3A_159 : i32 to index
      %get3A_160 = tpu.vector_load %arg7[%get3A] {strides = array<i32>} : memref<4096xi32, #tpu.memory_space<vmem>>, vector<16xi32>,
      %add3A_161 = arith.constant 0 : i32
      %add3A_162 = vector.broadcast %add3A_161 : i32 to vector<16xi32>
      %add3A_163 = arith.addi %get3A_160, %add3A_162 : vector<16xi32>
      %gather3A = tpu.vector_load_idx %arg8[%add3A_163] : memref<65536xf32, #tpu.memory_space<vmem>>[vector<16xi32>], vector<16xf32>,
      %mul3A_164 = arith.constant 16 : i32
      %mul3A_165 = arith.muli %scan3A_155, %mul3A_164 : i32
      %add3A_166 = arith.constant 0 : i32
      %add3A_167 = arith.addi %add3A_166, %mul3A_165 : i32
      %swap3A = arith.index_cast %add3A_167 : i32 to index
      %swap3A_168 = tpu.vector_load %arg10[%swap3A] {strides = array<i32>} : memref<6144xf32, #tpu.memory_space<vmem>>, vector<16xf32>,
      tpu.vector_store %arg10[%swap3A], %gather3A {strides = array<i32>} : memref<6144xf32, #tpu.memory_space<vmem>>, vector<16xf32>,
      %add3A_169 = arith.constant 16384 : i32
      %add3A_170 = vector.broadcast %add3A_169 : i32 to vector<16xi32>
      %add3A_171 = arith.addi %get3A_160, %add3A_170 : vector<16xi32>
      %gather3A_172 = tpu.vector_load_idx %arg8[%add3A_171] : memref<65536xf32, #tpu.memory_space<vmem>>[vector<16xi32>], vector<16xf32>,
      %mul3A_173 = arith.constant 16 : i32
      %mul3A_174 = arith.muli %scan3A_155, %mul3A_173 : i32
      %add3A_175 = arith.constant 2048 : i32
      %add3A_176 = arith.addi %add3A_175, %mul3A_174 : i32
      %swap3A_177 = arith.index_cast %add3A_176 : i32 to index
      %swap3A_178 = tpu.vector_load %arg10[%swap3A_177] {strides = array<i32>} : memref<6144xf32, #tpu.memory_space<vmem>>, vector<16xf32>,
      tpu.vector_store %arg10[%swap3A_177], %gather3A_172 {strides = array<i32>} : memref<6144xf32, #tpu.memory_space<vmem>>, vector<16xf32>,
      %add3A_179 = arith.constant 32768 : i32
      %add3A_180 = vector.broadcast %add3A_179 : i32 to vector<16xi32>
      %add3A_181 = arith.addi %get3A_160, %add3A_180 : vector<16xi32>
      %gather3A_182 = tpu.vector_load_idx %arg8[%add3A_181] : memref<65536xf32, #tpu.memory_space<vmem>>[vector<16xi32>], vector<16xf32>,
      %mul3A_183 = arith.constant 16 : i32
      %mul3A_184 = arith.muli %scan3A_155, %mul3A_183 : i32
      %add3A_185 = arith.constant 4096 : i32
      %add3A_186 = arith.addi %add3A_185, %mul3A_184 : i32
      %swap3A_187 = arith.index_cast %add3A_186 : i32 to index
      %swap3A_188 = tpu.vector_load %arg10[%swap3A_187] {strides = array<i32>} : memref<6144xf32, #tpu.memory_space<vmem>>, vector<16xf32>,
      tpu.vector_store %arg10[%swap3A_187], %gather3A_182 {strides = array<i32>} : memref<6144xf32, #tpu.memory_space<vmem>>, vector<16xf32>,
      %scan3A_189 = arith.constant 0 : i32
      %scan3A_190 = arith.constant 1 : i32
      %scan3A_191 = arith.addi %scan3A_155, %scan3A_190 : i32
      %mul3A_192 = arith.constant 16 : i32
      %mul3A_193 = arith.muli %scan3A_191, %mul3A_192 : i32
      %add3A_194 = arith.addi %mul3A_34, %mul3A_193 : i32
      %get3A_195 = arith.index_cast %add3A_194 : i32 to index
      %get3A_196 = tpu.vector_load %arg7[%get3A_195] {strides = array<i32>} : memref<4096xi32, #tpu.memory_space<vmem>>, vector<16xi32>,
      %add3A_197 = arith.constant 0 : i32
      %add3A_198 = vector.broadcast %add3A_197 : i32 to vector<16xi32>
      %add3A_199 = arith.addi %get3A_196, %add3A_198 : vector<16xi32>
      %gather3A_200 = tpu.vector_load_idx %arg8[%add3A_199] : memref<65536xf32, #tpu.memory_space<vmem>>[vector<16xi32>], vector<16xf32>,
      %mul3A_201 = arith.constant 16 : i32
      %mul3A_202 = arith.muli %scan3A_191, %mul3A_201 : i32
      %add3A_203 = arith.constant 0 : i32
      %add3A_204 = arith.addi %add3A_203, %mul3A_202 : i32
      %swap3A_205 = arith.index_cast %add3A_204 : i32 to index
      %swap3A_206 = tpu.vector_load %arg10[%swap3A_205] {strides = array<i32>} : memref<6144xf32, #tpu.memory_space<vmem>>, vector<16xf32>,
      tpu.vector_store %arg10[%swap3A_205], %gather3A_200 {strides = array<i32>} : memref<6144xf32, #tpu.memory_space<vmem>>, vector<16xf32>,
      %add3A_207 = arith.constant 16384 : i32
      %add3A_208 = vector.broadcast %add3A_207 : i32 to vector<16xi32>
      %add3A_209 = arith.addi %get3A_196, %add3A_208 : vector<16xi32>
      %gather3A_210 = tpu.vector_load_idx %arg8[%add3A_209] : memref<65536xf32, #tpu.memory_space<vmem>>[vector<16xi32>], vector<16xf32>,
      %mul3A_211 = arith.constant 16 : i32
      %mul3A_212 = arith.muli %scan3A_191, %mul3A_211 : i32
      %add3A_213 = arith.constant 2048 : i32
      %add3A_214 = arith.addi %add3A_213, %mul3A_212 : i32
      %swap3A_215 = arith.index_cast %add3A_214 : i32 to index
      %swap3A_216 = tpu.vector_load %arg10[%swap3A_215] {strides = array<i32>} : memref<6144xf32, #tpu.memory_space<vmem>>, vector<16xf32>,
      tpu.vector_store %arg10[%swap3A_215], %gather3A_210 {strides = array<i32>} : memref<6144xf32, #tpu.memory_space<vmem>>, vector<16xf32>,
      %add3A_217 = arith.constant 32768 : i32
      %add3A_218 = vector.broadcast %add3A_217 : i32 to vector<16xi32>
      %add3A_219 = arith.addi %get3A_196, %add3A_218 : vector<16xi32>
      %gather3A_220 = tpu.vector_load_idx %arg8[%add3A_219] : memref<65536xf32, #tpu.memory_space<vmem>>[vector<16xi32>], vector<16xf32>,
      %mul3A_221 = arith.constant 16 : i32
      %mul3A_222 = arith.muli %scan3A_191, %mul3A_221 : i32
      %add3A_223 = arith.constant 4096 : i32
      %add3A_224 = arith.addi %add3A_223, %mul3A_222 : i32
      %swap3A_225 = arith.index_cast %add3A_224 : i32 to index
      %swap3A_226 = tpu.vector_load %arg10[%swap3A_225] {strides = array<i32>} : memref<6144xf32, #tpu.memory_space<vmem>>, vector<16xf32>,
      tpu.vector_store %arg10[%swap3A_225], %gather3A_220 {strides = array<i32>} : memref<6144xf32, #tpu.memory_space<vmem>>, vector<16xf32>,
      %scan3A_227 = arith.constant 0 : i32
      %scan3A_228 = arith.constant 2 : i32
      %scan3A_229 = arith.addi %scan3A_155, %scan3A_228 : i32
      %mul3A_230 = arith.constant 16 : i32
      %mul3A_231 = arith.muli %scan3A_229, %mul3A_230 : i32
      %add3A_232 = arith.addi %mul3A_34, %mul3A_231 : i32
      %get3A_233 = arith.index_cast %add3A_232 : i32 to index
      %get3A_234 = tpu.vector_load %arg7[%get3A_233] {strides = array<i32>} : memref<4096xi32, #tpu.memory_space<vmem>>, vector<16xi32>,
      %add3A_235 = arith.constant 0 : i32
      %add3A_236 = vector.broadcast %add3A_235 : i32 to vector<16xi32>
      %add3A_237 = arith.addi %get3A_234, %add3A_236 : vector<16xi32>
      %gather3A_238 = tpu.vector_load_idx %arg8[%add3A_237] : memref<65536xf32, #tpu.memory_space<vmem>>[vector<16xi32>], vector<16xf32>,
      %mul3A_239 = arith.constant 16 : i32
      %mul3A_240 = arith.muli %scan3A_229, %mul3A_239 : i32
      %add3A_241 = arith.constant 0 : i32
      %add3A_242 = arith.addi %add3A_241, %mul3A_240 : i32
      %swap3A_243 = arith.index_cast %add3A_242 : i32 to index
      %swap3A_244 = tpu.vector_load %arg10[%swap3A_243] {strides = array<i32>} : memref<6144xf32, #tpu.memory_space<vmem>>, vector<16xf32>,
      tpu.vector_store %arg10[%swap3A_243], %gather3A_238 {strides = array<i32>} : memref<6144xf32, #tpu.memory_space<vmem>>, vector<16xf32>,
      %add3A_245 = arith.constant 16384 : i32
      %add3A_246 = vector.broadcast %add3A_245 : i32 to vector<16xi32>
      %add3A_247 = arith.addi %get3A_234, %add3A_246 : vector<16xi32>
      %gather3A_248 = tpu.vector_load_idx %arg8[%add3A_247] : memref<65536xf32, #tpu.memory_space<vmem>>[vector<16xi32>], vector<16xf32>,
      %mul3A_249 = arith.constant 16 : i32
      %mul3A_250 = arith.muli %scan3A_229, %mul3A_249 : i32
      %add3A_251 = arith.constant 2048 : i32
      %add3A_252 = arith.addi %add3A_251, %mul3A_250 : i32
      %swap3A_253 = arith.index_cast %add3A_252 : i32 to index
      %swap3A_254 = tpu.vector_load %arg10[%swap3A_253] {strides = array<i32>} : memref<6144xf32, #tpu.memory_space<vmem>>, vector<16xf32>,
      tpu.vector_store %arg10[%swap3A_253], %gather3A_248 {strides = array<i32>} : memref<6144xf32, #tpu.memory_space<vmem>>, vector<16xf32>,
      %add3A_255 = arith.constant 32768 : i32
      %add3A_256 = vector.broadcast %add3A_255 : i32 to vector<16xi32>
      %add3A_257 = arith.addi %get3A_234, %add3A_256 : vector<16xi32>
      %gather3A_258 = tpu.vector_load_idx %arg8[%add3A_257] : memref<65536xf32, #tpu.memory_space<vmem>>[vector<16xi32>], vector<16xf32>,
      %mul3A_259 = arith.constant 16 : i32
      %mul3A_260 = arith.muli %scan3A_229, %mul3A_259 : i32
      %add3A_261 = arith.constant 4096 : i32
      %add3A_262 = arith.addi %add3A_261, %mul3A_260 : i32
      %swap3A_263 = arith.index_cast %add3A_262 : i32 to index
      %swap3A_264 = tpu.vector_load %arg10[%swap3A_263] {strides = array<i32>} : memref<6144xf32, #tpu.memory_space<vmem>>, vector<16xf32>,
      tpu.vector_store %arg10[%swap3A_263], %gather3A_258 {strides = array<i32>} : memref<6144xf32, #tpu.memory_space<vmem>>, vector<16xf32>,
      %scan3A_265 = arith.constant 0 : i32
      %scan3A_266 = arith.constant 3 : i32
      %scan3A_267 = arith.addi %scan3A_155, %scan3A_266 : i32
      %mul3A_268 = arith.constant 16 : i32
      %mul3A_269 = arith.muli %scan3A_267, %mul3A_268 : i32
      %add3A_270 = arith.addi %mul3A_34, %mul3A_269 : i32
      %get3A_271 = arith.index_cast %add3A_270 : i32 to index
      %get3A_272 = tpu.vector_load %arg7[%get3A_271] {strides = array<i32>} : memref<4096xi32, #tpu.memory_space<vmem>>, vector<16xi32>,
      %add3A_273 = arith.constant 0 : i32
      %add3A_274 = vector.broadcast %add3A_273 : i32 to vector<16xi32>
      %add3A_275 = arith.addi %get3A_272, %add3A_274 : vector<16xi32>
      %gather3A_276 = tpu.vector_load_idx %arg8[%add3A_275] : memref<65536xf32, #tpu.memory_space<vmem>>[vector<16xi32>], vector<16xf32>,
      %mul3A_277 = arith.constant 16 : i32
      %mul3A_278 = arith.muli %scan3A_267, %mul3A_277 : i32
      %add3A_279 = arith.constant 0 : i32
      %add3A_280 = arith.addi %add3A_279, %mul3A_278 : i32
      %swap3A_281 = arith.index_cast %add3A_280 : i32 to index
      %swap3A_282 = tpu.vector_load %arg10[%swap3A_281] {strides = array<i32>} : memref<6144xf32, #tpu.memory_space<vmem>>, vector<16xf32>,
      tpu.vector_store %arg10[%swap3A_281], %gather3A_276 {strides = array<i32>} : memref<6144xf32, #tpu.memory_space<vmem>>, vector<16xf32>,
      %add3A_283 = arith.constant 16384 : i32
      %add3A_284 = vector.broadcast %add3A_283 : i32 to vector<16xi32>
      %add3A_285 = arith.addi %get3A_272, %add3A_284 : vector<16xi32>
      %gather3A_286 = tpu.vector_load_idx %arg8[%add3A_285] : memref<65536xf32, #tpu.memory_space<vmem>>[vector<16xi32>], vector<16xf32>,
      %mul3A_287 = arith.constant 16 : i32
      %mul3A_288 = arith.muli %scan3A_267, %mul3A_287 : i32
      %add3A_289 = arith.constant 2048 : i32
      %add3A_290 = arith.addi %add3A_289, %mul3A_288 : i32
      %swap3A_291 = arith.index_cast %add3A_290 : i32 to index
      %swap3A_292 = tpu.vector_load %arg10[%swap3A_291] {strides = array<i32>} : memref<6144xf32, #tpu.memory_space<vmem>>, vector<16xf32>,
      tpu.vector_store %arg10[%swap3A_291], %gather3A_286 {strides = array<i32>} : memref<6144xf32, #tpu.memory_space<vmem>>, vector<16xf32>,
      %add3A_293 = arith.constant 32768 : i32
      %add3A_294 = vector.broadcast %add3A_293 : i32 to vector<16xi32>
      %add3A_295 = arith.addi %get3A_272, %add3A_294 : vector<16xi32>
      %gather3A_296 = tpu.vector_load_idx %arg8[%add3A_295] : memref<65536xf32, #tpu.memory_space<vmem>>[vector<16xi32>], vector<16xf32>,
      %mul3A_297 = arith.constant 16 : i32
      %mul3A_298 = arith.muli %scan3A_267, %mul3A_297 : i32
      %add3A_299 = arith.constant 4096 : i32
      %add3A_300 = arith.addi %add3A_299, %mul3A_298 : i32
      %swap3A_301 = arith.index_cast %add3A_300 : i32 to index
      %swap3A_302 = tpu.vector_load %arg10[%swap3A_301] {strides = array<i32>} : memref<6144xf32, #tpu.memory_space<vmem>>, vector<16xf32>,
      tpu.vector_store %arg10[%swap3A_301], %gather3A_296 {strides = array<i32>} : memref<6144xf32, #tpu.memory_space<vmem>>, vector<16xf32>,
      %scan3A_303 = arith.constant 0 : i32
      scf.yield %scan3A_303 : i32
    }
    %scan3A_42 = arith.constant 128 : i32
    %run_scoped3A_43 = arith.constant 0 : i32
    "tpu.region"() ({
      %run_scoped3A_155 = tpu.sem_alloc : memref<!tpu.dma_semaphore, #tpu.memory_space<semaphore_mem>>
      %dma_start3A_156 = arith.constant 0 : i32
      %dma_start3A_157 = tpu.memref_slice %arg10[%dma_start3A_156] : memref<6144xf32, #tpu.memory_space<vmem>> -> memref<2048xf32, #tpu.memory_space<vmem>>
      %dma_start3A_158 = tpu.memref_slice %arg5[%run_scoped3A_43, %select_n3A, %mul3A_34] : memref<3x16x4096xf32, #tpu.memory_space<hbm>> -> memref<1x1x2048xf32, #tpu.memory_space<hbm>>
      %dma_start3A_159 = tpu.memref_squeeze %dma_start3A_158 : memref<1x1x2048xf32, #tpu.memory_space<hbm>> -> memref<2048xf32, #tpu.memory_space<hbm>>
      %dma_start3A_160 = tpu.memref_slice %arg5[%run_scoped3A_43, %select_n3A, %mul3A_34] : memref<3x16x4096xf32, #tpu.memory_space<hbm>> -> memref<1x1x2048xf32, #tpu.memory_space<hbm>>
      %dma_start3A_161 = tpu.memref_squeeze %dma_start3A_160 : memref<1x1x2048xf32, #tpu.memory_space<hbm>> -> memref<2048xf32, #tpu.memory_space<hbm>>
      %dma_start3A_162 = arith.constant 0 : i32
      %dma_start3A_163 = tpu.memref_slice %arg10[%dma_start3A_162] : memref<6144xf32, #tpu.memory_space<vmem>> -> memref<2048xf32, #tpu.memory_space<vmem>>
      tpu.enqueue_dma source(%dma_start3A_163 : memref<2048xf32, #tpu.memory_space<vmem>>) target(%dma_start3A_161 : memref<2048xf32, #tpu.memory_space<hbm>>) target_semaphore(%run_scoped3A_155 : memref<!tpu.dma_semaphore, #tpu.memory_space<semaphore_mem>>)
      %dma_wait3A_164 = arith.constant 0 : i32
      %dma_wait3A_165 = tpu.memref_slice %arg10[%dma_wait3A_164] : memref<6144xf32, #tpu.memory_space<vmem>> -> memref<2048xf32, #tpu.memory_space<vmem>>
      %dma_wait3A_166 = tpu.memref_slice %arg5[%run_scoped3A_43, %select_n3A, %mul3A_34] : memref<3x16x4096xf32, #tpu.memory_space<hbm>> -> memref<1x1x2048xf32, #tpu.memory_space<hbm>>
      %dma_wait3A_167 = tpu.memref_squeeze %dma_wait3A_166 : memref<1x1x2048xf32, #tpu.memory_space<hbm>> -> memref<2048xf32, #tpu.memory_space<hbm>>
      %dma_wait3A_168 = tpu.memref_slice %arg5[%run_scoped3A_43, %select_n3A, %mul3A_34] : memref<3x16x4096xf32, #tpu.memory_space<hbm>> -> memref<1x1x2048xf32, #tpu.memory_space<hbm>>
      %dma_wait3A_169 = tpu.memref_squeeze %dma_wait3A_168 : memref<1x1x2048xf32, #tpu.memory_space<hbm>> -> memref<2048xf32, #tpu.memory_space<hbm>>
      %dma_wait3A_170 = arith.constant 0 : i32
      %dma_wait3A_171 = tpu.memref_slice %arg10[%dma_wait3A_170] : memref<6144xf32, #tpu.memory_space<vmem>> -> memref<2048xf32, #tpu.memory_space<vmem>>
      tpu.wait_dma2 semaphore(%run_scoped3A_155 : memref<!tpu.dma_semaphore, #tpu.memory_space<semaphore_mem>>) src(%dma_wait3A_171 : memref<2048xf32, #tpu.memory_space<vmem>>) dst(%dma_wait3A_169 : memref<2048xf32, #tpu.memory_space<hbm>>)
      tpu.yield
    }) : () -> ()
    %run_scoped3A_44 = arith.constant 1 : i32
    "tpu.region"() ({
      %run_scoped3A_155 = tpu.sem_alloc : memref<!tpu.dma_semaphore, #tpu.memory_space<semaphore_mem>>
      %dma_start3A_156 = arith.constant 2048 : i32
      %dma_start3A_157 = tpu.memref_slice %arg10[%dma_start3A_156] : memref<6144xf32, #tpu.memory_space<vmem>> -> memref<2048xf32, #tpu.memory_space<vmem>>
      %dma_start3A_158 = tpu.memref_slice %arg5[%run_scoped3A_44, %select_n3A, %mul3A_34] : memref<3x16x4096xf32, #tpu.memory_space<hbm>> -> memref<1x1x2048xf32, #tpu.memory_space<hbm>>
      %dma_start3A_159 = tpu.memref_squeeze %dma_start3A_158 : memref<1x1x2048xf32, #tpu.memory_space<hbm>> -> memref<2048xf32, #tpu.memory_space<hbm>>
      %dma_start3A_160 = tpu.memref_slice %arg5[%run_scoped3A_44, %select_n3A, %mul3A_34] : memref<3x16x4096xf32, #tpu.memory_space<hbm>> -> memref<1x1x2048xf32, #tpu.memory_space<hbm>>
      %dma_start3A_161 = tpu.memref_squeeze %dma_start3A_160 : memref<1x1x2048xf32, #tpu.memory_space<hbm>> -> memref<2048xf32, #tpu.memory_space<hbm>>
      %dma_start3A_162 = arith.constant 2048 : i32
      %dma_start3A_163 = tpu.memref_slice %arg10[%dma_start3A_162] : memref<6144xf32, #tpu.memory_space<vmem>> -> memref<2048xf32, #tpu.memory_space<vmem>>
      tpu.enqueue_dma source(%dma_start3A_163 : memref<2048xf32, #tpu.memory_space<vmem>>) target(%dma_start3A_161 : memref<2048xf32, #tpu.memory_space<hbm>>) target_semaphore(%run_scoped3A_155 : memref<!tpu.dma_semaphore, #tpu.memory_space<semaphore_mem>>)
      %dma_wait3A_164 = arith.constant 2048 : i32
      %dma_wait3A_165 = tpu.memref_slice %arg10[%dma_wait3A_164] : memref<6144xf32, #tpu.memory_space<vmem>> -> memref<2048xf32, #tpu.memory_space<vmem>>
      %dma_wait3A_166 = tpu.memref_slice %arg5[%run_scoped3A_44, %select_n3A, %mul3A_34] : memref<3x16x4096xf32, #tpu.memory_space<hbm>> -> memref<1x1x2048xf32, #tpu.memory_space<hbm>>
      %dma_wait3A_167 = tpu.memref_squeeze %dma_wait3A_166 : memref<1x1x2048xf32, #tpu.memory_space<hbm>> -> memref<2048xf32, #tpu.memory_space<hbm>>
      %dma_wait3A_168 = tpu.memref_slice %arg5[%run_scoped3A_44, %select_n3A, %mul3A_34] : memref<3x16x4096xf32, #tpu.memory_space<hbm>> -> memref<1x1x2048xf32, #tpu.memory_space<hbm>>
      %dma_wait3A_169 = tpu.memref_squeeze %dma_wait3A_168 : memref<1x1x2048xf32, #tpu.memory_space<hbm>> -> memref<2048xf32, #tpu.memory_space<hbm>>
      %dma_wait3A_170 = arith.constant 2048 : i32
      %dma_wait3A_171 = tpu.memref_slice %arg10[%dma_wait3A_170] : memref<6144xf32, #tpu.memory_space<vmem>> -> memref<2048xf32, #tpu.memory_space<vmem>>
      tpu.wait_dma2 semaphore(%run_scoped3A_155 : memref<!tpu.dma_semaphore, #tpu.memory_space<semaphore_mem>>) src(%dma_wait3A_171 : memref<2048xf32, #tpu.memory_space<vmem>>) dst(%dma_wait3A_169 : memref<2048xf32, #tpu.memory_space<hbm>>)
      tpu.yield
    }) : () -> ()
    %run_scoped3A_45 = arith.constant 2 : i32
    "tpu.region"() ({
      %run_scoped3A_155 = tpu.sem_alloc : memref<!tpu.dma_semaphore, #tpu.memory_space<semaphore_mem>>
      %dma_start3A_156 = arith.constant 4096 : i32
      %dma_start3A_157 = tpu.memref_slice %arg10[%dma_start3A_156] : memref<6144xf32, #tpu.memory_space<vmem>> -> memref<2048xf32, #tpu.memory_space<vmem>>
      %dma_start3A_158 = tpu.memref_slice %arg5[%run_scoped3A_45, %select_n3A, %mul3A_34] : memref<3x16x4096xf32, #tpu.memory_space<hbm>> -> memref<1x1x2048xf32, #tpu.memory_space<hbm>>
      %dma_start3A_159 = tpu.memref_squeeze %dma_start3A_158 : memref<1x1x2048xf32, #tpu.memory_space<hbm>> -> memref<2048xf32, #tpu.memory_space<hbm>>
      %dma_start3A_160 = tpu.memref_slice %arg5[%run_scoped3A_45, %select_n3A, %mul3A_34] : memref<3x16x4096xf32, #tpu.memory_space<hbm>> -> memref<1x1x2048xf32, #tpu.memory_space<hbm>>
      %dma_start3A_161 = tpu.memref_squeeze %dma_start3A_160 : memref<1x1x2048xf32, #tpu.memory_space<hbm>> -> memref<2048xf32, #tpu.memory_space<hbm>>
      %dma_start3A_162 = arith.constant 4096 : i32
      %dma_start3A_163 = tpu.memref_slice %arg10[%dma_start3A_162] : memref<6144xf32, #tpu.memory_space<vmem>> -> memref<2048xf32, #tpu.memory_space<vmem>>
      tpu.enqueue_dma source(%dma_start3A_163 : memref<2048xf32, #tpu.memory_space<vmem>>) target(%dma_start3A_161 : memref<2048xf32, #tpu.memory_space<hbm>>) target_semaphore(%run_scoped3A_155 : memref<!tpu.dma_semaphore, #tpu.memory_space<semaphore_mem>>)
      %dma_wait3A_164 = arith.constant 4096 : i32
      %dma_wait3A_165 = tpu.memref_slice %arg10[%dma_wait3A_164] : memref<6144xf32, #tpu.memory_space<vmem>> -> memref<2048xf32, #tpu.memory_space<vmem>>
      %dma_wait3A_166 = tpu.memref_slice %arg5[%run_scoped3A_45, %select_n3A, %mul3A_34] : memref<3x16x4096xf32, #tpu.memory_space<hbm>> -> memref<1x1x2048xf32, #tpu.memory_space<hbm>>
      %dma_wait3A_167 = tpu.memref_squeeze %dma_wait3A_166 : memref<1x1x2048xf32, #tpu.memory_space<hbm>> -> memref<2048xf32, #tpu.memory_space<hbm>>
      %dma_wait3A_168 = tpu.memref_slice %arg5[%run_scoped3A_45, %select_n3A, %mul3A_34] : memref<3x16x4096xf32, #tpu.memory_space<hbm>> -> memref<1x1x2048xf32, #tpu.memory_space<hbm>>
      %dma_wait3A_169 = tpu.memref_squeeze %dma_wait3A_168 : memref<1x1x2048xf32, #tpu.memory_space<hbm>> -> memref<2048xf32, #tpu.memory_space<hbm>>
      %dma_wait3A_170 = arith.constant 4096 : i32
      %dma_wait3A_171 = tpu.memref_slice %arg10[%dma_wait3A_170] : memref<6144xf32, #tpu.memory_space<vmem>> -> memref<2048xf32, #tpu.memory_space<vmem>>
      tpu.wait_dma2 semaphore(%run_scoped3A_155 : memref<!tpu.dma_semaphore, #tpu.memory_space<semaphore_mem>>) src(%dma_wait3A_171 : memref<2048xf32, #tpu.memory_space<vmem>>) dst(%dma_wait3A_169 : memref<2048xf32, #tpu.memory_space<hbm>>)
      tpu.yield
    }) : () -> ()
    %add3A_46 = arith.constant 0 : i32
    %add3A_47 = arith.addi %mul3A_32, %add3A_46 : i32
    %add3A_48 = arith.constant 0 : i32
    %add3A_49 = arith.addi %add3A_47, %add3A_48 : i32
    %add3A_50 = arith.constant 1 : i32
    %add3A_51 = arith.addi %add3A_47, %add3A_50 : i32
    %dma_start3A = arith.constant 0 : i32
    %dma_start3A_52 = tpu.memref_slice %arg8[%dma_start3A] : memref<65536xf32, #tpu.memory_space<vmem>> -> memref<16384xf32, #tpu.memory_space<vmem>>
    %dma_start3A_53 = arith.constant 0 : i32
    %dma_start3A_54 = tpu.memref_slice %arg3[%select_n3A, %add3A_49, %dma_start3A_53] : memref<16x256x16384xf32, #tpu.memory_space<hbm>> -> memref<1x1x16384xf32, #tpu.memory_space<hbm>>
    %dma_start3A_55 = tpu.memref_squeeze %dma_start3A_54 : memref<1x1x16384xf32, #tpu.memory_space<hbm>> -> memref<16384xf32, #tpu.memory_space<hbm>>
    %dma_start3A_56 = arith.constant 0 : i32
    %dma_start3A_57 = tpu.memref_slice %arg8[%dma_start3A_56] : memref<65536xf32, #tpu.memory_space<vmem>> -> memref<16384xf32, #tpu.memory_space<vmem>>
    %dma_start3A_58 = arith.constant 0 : i32
    %dma_start3A_59 = tpu.memref_slice %arg3[%select_n3A, %add3A_49, %dma_start3A_58] : memref<16x256x16384xf32, #tpu.memory_space<hbm>> -> memref<1x1x16384xf32, #tpu.memory_space<hbm>>
    %dma_start3A_60 = tpu.memref_squeeze %dma_start3A_59 : memref<1x1x16384xf32, #tpu.memory_space<hbm>> -> memref<16384xf32, #tpu.memory_space<hbm>>
    tpu.enqueue_dma source(%dma_start3A_60 : memref<16384xf32, #tpu.memory_space<hbm>>) target(%dma_start3A_57 : memref<16384xf32, #tpu.memory_space<vmem>>) target_semaphore(%arg11 : memref<!tpu.dma_semaphore, #tpu.memory_space<semaphore_mem>>)
    %dma_start3A_61 = arith.constant 16384 : i32
    %dma_start3A_62 = tpu.memref_slice %arg8[%dma_start3A_61] : memref<65536xf32, #tpu.memory_space<vmem>> -> memref<16384xf32, #tpu.memory_space<vmem>>
    %dma_start3A_63 = arith.constant 0 : i32
    %dma_start3A_64 = tpu.memref_slice %arg3[%select_n3A, %add3A_51, %dma_start3A_63] : memref<16x256x16384xf32, #tpu.memory_space<hbm>> -> memref<1x1x16384xf32, #tpu.memory_space<hbm>>
    %dma_start3A_65 = tpu.memref_squeeze %dma_start3A_64 : memref<1x1x16384xf32, #tpu.memory_space<hbm>> -> memref<16384xf32, #tpu.memory_space<hbm>>
    %dma_start3A_66 = arith.constant 16384 : i32
    %dma_start3A_67 = tpu.memref_slice %arg8[%dma_start3A_66] : memref<65536xf32, #tpu.memory_space<vmem>> -> memref<16384xf32, #tpu.memory_space<vmem>>
    %dma_start3A_68 = arith.constant 0 : i32
    %dma_start3A_69 = tpu.memref_slice %arg3[%select_n3A, %add3A_51, %dma_start3A_68] : memref<16x256x16384xf32, #tpu.memory_space<hbm>> -> memref<1x1x16384xf32, #tpu.memory_space<hbm>>
    %dma_start3A_70 = tpu.memref_squeeze %dma_start3A_69 : memref<1x1x16384xf32, #tpu.memory_space<hbm>> -> memref<16384xf32, #tpu.memory_space<hbm>>
    tpu.enqueue_dma source(%dma_start3A_70 : memref<16384xf32, #tpu.memory_space<hbm>>) target(%dma_start3A_67 : memref<16384xf32, #tpu.memory_space<vmem>>) target_semaphore(%arg11 : memref<!tpu.dma_semaphore, #tpu.memory_space<semaphore_mem>>)
    %add3A_71 = arith.constant 2 : i32
    %add3A_72 = arith.addi %mul3A_32, %add3A_71 : i32
    %add3A_73 = arith.constant 0 : i32
    %add3A_74 = arith.addi %add3A_72, %add3A_73 : i32
    %add3A_75 = arith.constant 1 : i32
    %add3A_76 = arith.addi %add3A_72, %add3A_75 : i32
    %dma_start3A_77 = arith.constant 32768 : i32
    %dma_start3A_78 = tpu.memref_slice %arg8[%dma_start3A_77] : memref<65536xf32, #tpu.memory_space<vmem>> -> memref<16384xf32, #tpu.memory_space<vmem>>
    %dma_start3A_79 = arith.constant 0 : i32
    %dma_start3A_80 = tpu.memref_slice %arg3[%select_n3A, %add3A_74, %dma_start3A_79] : memref<16x256x16384xf32, #tpu.memory_space<hbm>> -> memref<1x1x16384xf32, #tpu.memory_space<hbm>>
    %dma_start3A_81 = tpu.memref_squeeze %dma_start3A_80 : memref<1x1x16384xf32, #tpu.memory_space<hbm>> -> memref<16384xf32, #tpu.memory_space<hbm>>
    %dma_start3A_82 = arith.constant 32768 : i32
    %dma_start3A_83 = tpu.memref_slice %arg8[%dma_start3A_82] : memref<65536xf32, #tpu.memory_space<vmem>> -> memref<16384xf32, #tpu.memory_space<vmem>>
    %dma_start3A_84 = arith.constant 0 : i32
    %dma_start3A_85 = tpu.memref_slice %arg3[%select_n3A, %add3A_74, %dma_start3A_84] : memref<16x256x16384xf32, #tpu.memory_space<hbm>> -> memref<1x1x16384xf32, #tpu.memory_space<hbm>>
    %dma_start3A_86 = tpu.memref_squeeze %dma_start3A_85 : memref<1x1x16384xf32, #tpu.memory_space<hbm>> -> memref<16384xf32, #tpu.memory_space<hbm>>
    tpu.enqueue_dma source(%dma_start3A_86 : memref<16384xf32, #tpu.memory_space<hbm>>) target(%dma_start3A_83 : memref<16384xf32, #tpu.memory_space<vmem>>) target_semaphore(%arg12 : memref<!tpu.dma_semaphore, #tpu.memory_space<semaphore_mem>>)
    %dma_start3A_87 = arith.constant 49152 : i32
    %dma_start3A_88 = tpu.memref_slice %arg8[%dma_start3A_87] : memref<65536xf32, #tpu.memory_space<vmem>> -> memref<16384xf32, #tpu.memory_space<vmem>>
    %dma_start3A_89 = arith.constant 0 : i32
    %dma_start3A_90 = tpu.memref_slice %arg3[%select_n3A, %add3A_76, %dma_start3A_89] : memref<16x256x16384xf32, #tpu.memory_space<hbm>> -> memref<1x1x16384xf32, #tpu.memory_space<hbm>>
    %dma_start3A_91 = tpu.memref_squeeze %dma_start3A_90 : memref<1x1x16384xf32, #tpu.memory_space<hbm>> -> memref<16384xf32, #tpu.memory_space<hbm>>
    %dma_start3A_92 = arith.constant 49152 : i32
    %dma_start3A_93 = tpu.memref_slice %arg8[%dma_start3A_92] : memref<65536xf32, #tpu.memory_space<vmem>> -> memref<16384xf32, #tpu.memory_space<vmem>>
    %dma_start3A_94 = arith.constant 0 : i32
    %dma_start3A_95 = tpu.memref_slice %arg3[%select_n3A, %add3A_76, %dma_start3A_94] : memref<16x256x16384xf32, #tpu.memory_space<hbm>> -> memref<1x1x16384xf32, #tpu.memory_space<hbm>>
    %dma_start3A_96 = tpu.memref_squeeze %dma_start3A_95 : memref<1x1x16384xf32, #tpu.memory_space<hbm>> -> memref<16384xf32, #tpu.memory_space<hbm>>
    tpu.enqueue_dma source(%dma_start3A_96 : memref<16384xf32, #tpu.memory_space<hbm>>) target(%dma_start3A_93 : memref<16384xf32, #tpu.memory_space<vmem>>) target_semaphore(%arg12 : memref<!tpu.dma_semaphore, #tpu.memory_space<semaphore_mem>>)
    %scan3A_97 = arith.constant 0 : i32
    %scan3A_98 = arith.constant 0 : i32
    %scan3A_99 = arith.constant 32 : i32
    %scan3A_100 = arith.addi %scan3A_98, %scan3A_99 : i32
    %scan3A_101 = arith.constant 1 : i32
    %scan3A_102 = scf.for %scan3A_155 = %scan3A_98 to %scan3A_100 step %scan3A_101 iter_args(%scan3A_156 = %scan3A_97) -> (i32)  : i32 {
      %mul3A_157 = arith.constant 2 : i32
      %mul3A_158 = arith.muli %scan3A_155, %mul3A_157 : i32
      %add3A_159 = arith.constant 0 : i32
      %add3A_160 = arith.addi %mul3A_158, %add3A_159 : i32
      %mul3A_161 = arith.constant 2 : i32
      %mul3A_162 = arith.muli %add3A_160, %mul3A_161 : i32
      %add3A_163 = arith.addi %mul3A_32, %mul3A_162 : i32
      %add3A_164 = arith.constant 0 : i32
      %add3A_165 = arith.addi %add3A_163, %add3A_164 : i32
      %add3A_166 = arith.constant 1 : i32
      %add3A_167 = arith.addi %add3A_163, %add3A_166 : i32
      %dma_wait3A_168 = arith.constant 0 : i32
      %dma_wait3A_169 = tpu.memref_slice %arg8[%dma_wait3A_168] : memref<65536xf32, #tpu.memory_space<vmem>> -> memref<16384xf32, #tpu.memory_space<vmem>>
      %dma_wait3A_170 = arith.constant 0 : i32
      %dma_wait3A_171 = tpu.memref_slice %arg3[%select_n3A, %add3A_165, %dma_wait3A_170] : memref<16x256x16384xf32, #tpu.memory_space<hbm>> -> memref<1x1x16384xf32, #tpu.memory_space<hbm>>
      %dma_wait3A_172 = tpu.memref_squeeze %dma_wait3A_171 : memref<1x1x16384xf32, #tpu.memory_space<hbm>> -> memref<16384xf32, #tpu.memory_space<hbm>>
      %dma_wait3A_173 = arith.constant 0 : i32
      %dma_wait3A_174 = tpu.memref_slice %arg8[%dma_wait3A_173] : memref<65536xf32, #tpu.memory_space<vmem>> -> memref<16384xf32, #tpu.memory_space<vmem>>
      %dma_wait3A_175 = arith.constant 0 : i32
      %dma_wait3A_176 = tpu.memref_slice %arg3[%select_n3A, %add3A_165, %dma_wait3A_175] : memref<16x256x16384xf32, #tpu.memory_space<hbm>> -> memref<1x1x16384xf32, #tpu.memory_space<hbm>>
      %dma_wait3A_177 = tpu.memref_squeeze %dma_wait3A_176 : memref<1x1x16384xf32, #tpu.memory_space<hbm>> -> memref<16384xf32, #tpu.memory_space<hbm>>
      tpu.wait_dma2 semaphore(%arg11 : memref<!tpu.dma_semaphore, #tpu.memory_space<semaphore_mem>>) src(%dma_wait3A_177 : memref<16384xf32, #tpu.memory_space<hbm>>) dst(%dma_wait3A_174 : memref<16384xf32, #tpu.memory_space<vmem>>)
      %dma_wait3A_178 = arith.constant 16384 : i32
      %dma_wait3A_179 = tpu.memref_slice %arg8[%dma_wait3A_178] : memref<65536xf32, #tpu.memory_space<vmem>> -> memref<16384xf32, #tpu.memory_space<vmem>>
      %dma_wait3A_180 = arith.constant 0 : i32
      %dma_wait3A_181 = tpu.memref_slice %arg3[%select_n3A, %add3A_167, %dma_wait3A_180] : memref<16x256x16384xf32, #tpu.memory_space<hbm>> -> memref<1x1x16384xf32, #tpu.memory_space<hbm>>
      %dma_wait3A_182 = tpu.memref_squeeze %dma_wait3A_181 : memref<1x1x16384xf32, #tpu.memory_space<hbm>> -> memref<16384xf32, #tpu.memory_space<hbm>>
      %dma_wait3A_183 = arith.constant 16384 : i32
      %dma_wait3A_184 = tpu.memref_slice %arg8[%dma_wait3A_183] : memref<65536xf32, #tpu.memory_space<vmem>> -> memref<16384xf32, #tpu.memory_space<vmem>>
      %dma_wait3A_185 = arith.constant 0 : i32
      %dma_wait3A_186 = tpu.memref_slice %arg3[%select_n3A, %add3A_167, %dma_wait3A_185] : memref<16x256x16384xf32, #tpu.memory_space<hbm>> -> memref<1x1x16384xf32, #tpu.memory_space<hbm>>
      %dma_wait3A_187 = tpu.memref_squeeze %dma_wait3A_186 : memref<1x1x16384xf32, #tpu.memory_space<hbm>> -> memref<16384xf32, #tpu.memory_space<hbm>>
      tpu.wait_dma2 semaphore(%arg11 : memref<!tpu.dma_semaphore, #tpu.memory_space<semaphore_mem>>) src(%dma_wait3A_187 : memref<16384xf32, #tpu.memory_space<hbm>>) dst(%dma_wait3A_184 : memref<16384xf32, #tpu.memory_space<vmem>>)
      %ge3A = arith.constant 2 : i32
      %ge3A_188 = arith.cmpi sge, %add3A_160, %ge3A : i32
      %convert_element_type3A = arith.extui %ge3A_188 : i1 to i32
      %cond3A = arith.constant 0 : i32
      %cond3A_189 = arith.cmpi ne, %convert_element_type3A, %cond3A : i32
      scf.if %cond3A_189 {
        %sub3A_309 = arith.constant 2 : i32
        %sub3A_310 = arith.subi %add3A_160, %sub3A_309 : i32
        %mul3A_311 = arith.constant 2 : i32
        %mul3A_312 = arith.muli %sub3A_310, %mul3A_311 : i32
        %add3A_313 = arith.addi %mul3A_32, %mul3A_312 : i32
        %add3A_314 = arith.constant 0 : i32
        %add3A_315 = arith.addi %add3A_313, %add3A_314 : i32
        %add3A_316 = arith.constant 1 : i32
        %add3A_317 = arith.addi %add3A_313, %add3A_316 : i32
        %dma_wait3A_318 = arith.constant 0 : i32
        %dma_wait3A_319 = tpu.memref_slice %arg9[%dma_wait3A_318] : memref<16384xf32, #tpu.memory_space<vmem>> -> memref<4096xf32, #tpu.memory_space<vmem>>
        %dma_wait3A_320 = arith.constant 0 : i32
        %dma_wait3A_321 = tpu.memref_slice %arg6[%select_n3A, %add3A_315, %dma_wait3A_320] : memref<16x256x4096xf32, #tpu.memory_space<hbm>> -> memref<1x1x4096xf32, #tpu.memory_space<hbm>>
        %dma_wait3A_322 = tpu.memref_squeeze %dma_wait3A_321 : memref<1x1x4096xf32, #tpu.memory_space<hbm>> -> memref<4096xf32, #tpu.memory_space<hbm>>
        %dma_wait3A_323 = arith.constant 0 : i32
        %dma_wait3A_324 = tpu.memref_slice %arg6[%select_n3A, %add3A_315, %dma_wait3A_323] : memref<16x256x4096xf32, #tpu.memory_space<hbm>> -> memref<1x1x4096xf32, #tpu.memory_space<hbm>>
        %dma_wait3A_325 = tpu.memref_squeeze %dma_wait3A_324 : memref<1x1x4096xf32, #tpu.memory_space<hbm>> -> memref<4096xf32, #tpu.memory_space<hbm>>
        %dma_wait3A_326 = arith.constant 0 : i32
        %dma_wait3A_327 = tpu.memref_slice %arg9[%dma_wait3A_326] : memref<16384xf32, #tpu.memory_space<vmem>> -> memref<4096xf32, #tpu.memory_space<vmem>>
        tpu.wait_dma2 semaphore(%arg13 : memref<!tpu.dma_semaphore, #tpu.memory_space<semaphore_mem>>) src(%dma_wait3A_327 : memref<4096xf32, #tpu.memory_space<vmem>>) dst(%dma_wait3A_325 : memref<4096xf32, #tpu.memory_space<hbm>>)
        %dma_wait3A_328 = arith.constant 4096 : i32
        %dma_wait3A_329 = tpu.memref_slice %arg9[%dma_wait3A_328] : memref<16384xf32, #tpu.memory_space<vmem>> -> memref<4096xf32, #tpu.memory_space<vmem>>
        %dma_wait3A_330 = arith.constant 0 : i32
        %dma_wait3A_331 = tpu.memref_slice %arg6[%select_n3A, %add3A_317, %dma_wait3A_330] : memref<16x256x4096xf32, #tpu.memory_space<hbm>> -> memref<1x1x4096xf32, #tpu.memory_space<hbm>>
        %dma_wait3A_332 = tpu.memref_squeeze %dma_wait3A_331 : memref<1x1x4096xf32, #tpu.memory_space<hbm>> -> memref<4096xf32, #tpu.memory_space<hbm>>
        %dma_wait3A_333 = arith.constant 0 : i32
        %dma_wait3A_334 = tpu.memref_slice %arg6[%select_n3A, %add3A_317, %dma_wait3A_333] : memref<16x256x4096xf32, #tpu.memory_space<hbm>> -> memref<1x1x4096xf32, #tpu.memory_space<hbm>>
        %dma_wait3A_335 = tpu.memref_squeeze %dma_wait3A_334 : memref<1x1x4096xf32, #tpu.memory_space<hbm>> -> memref<4096xf32, #tpu.memory_space<hbm>>
        %dma_wait3A_336 = arith.constant 4096 : i32
        %dma_wait3A_337 = tpu.memref_slice %arg9[%dma_wait3A_336] : memref<16384xf32, #tpu.memory_space<vmem>> -> memref<4096xf32, #tpu.memory_space<vmem>>
        tpu.wait_dma2 semaphore(%arg13 : memref<!tpu.dma_semaphore, #tpu.memory_space<semaphore_mem>>) src(%dma_wait3A_337 : memref<4096xf32, #tpu.memory_space<vmem>>) dst(%dma_wait3A_335 : memref<4096xf32, #tpu.memory_space<hbm>>)
      } else {
      }
      %scan3A_190 = arith.constant 0 : i32
      %scan3A_191 = arith.constant 0 : i32
      %scan3A_192 = arith.constant 256 : i32
      %scan3A_193 = arith.addi %scan3A_191, %scan3A_192 : i32
      %scan3A_194 = arith.constant 4 : i32
      %scan3A_195 = scf.for %scan3A_309 = %scan3A_191 to %scan3A_193 step %scan3A_194 iter_args(%scan3A_310 = %scan3A_190) -> (i32)  : i32 {
        %mul3A_311 = arith.constant 16 : i32
        %mul3A_312 = arith.muli %scan3A_309, %mul3A_311 : i32
        %get3A = arith.index_cast %mul3A_312 : i32 to index
        %get3A_313 = tpu.vector_load %arg7[%get3A] {strides = array<i32>} : memref<4096xi32, #tpu.memory_space<vmem>>, vector<16xi32>,
        %add3A_314 = arith.constant 0 : i32
        %add3A_315 = vector.broadcast %add3A_314 : i32 to vector<16xi32>
        %add3A_316 = arith.addi %get3A_313, %add3A_315 : vector<16xi32>
        %gather3A = tpu.vector_load_idx %arg8[%add3A_316] : memref<65536xf32, #tpu.memory_space<vmem>>[vector<16xi32>], vector<16xf32>,
        %mul3A_317 = arith.constant 16 : i32
        %mul3A_318 = arith.muli %scan3A_309, %mul3A_317 : i32
        %add3A_319 = arith.constant 0 : i32
        %add3A_320 = arith.addi %add3A_319, %mul3A_318 : i32
        %swap3A = arith.index_cast %add3A_320 : i32 to index
        %swap3A_321 = tpu.vector_load %arg9[%swap3A] {strides = array<i32>} : memref<16384xf32, #tpu.memory_space<vmem>>, vector<16xf32>,
        tpu.vector_store %arg9[%swap3A], %gather3A {strides = array<i32>} : memref<16384xf32, #tpu.memory_space<vmem>>, vector<16xf32>,
        %add3A_322 = arith.constant 16384 : i32
        %add3A_323 = vector.broadcast %add3A_322 : i32 to vector<16xi32>
        %add3A_324 = arith.addi %get3A_313, %add3A_323 : vector<16xi32>
        %gather3A_325 = tpu.vector_load_idx %arg8[%add3A_324] : memref<65536xf32, #tpu.memory_space<vmem>>[vector<16xi32>], vector<16xf32>,
        %mul3A_326 = arith.constant 16 : i32
        %mul3A_327 = arith.muli %scan3A_309, %mul3A_326 : i32
        %add3A_328 = arith.constant 4096 : i32
        %add3A_329 = arith.addi %add3A_328, %mul3A_327 : i32
        %swap3A_330 = arith.index_cast %add3A_329 : i32 to index
        %swap3A_331 = tpu.vector_load %arg9[%swap3A_330] {strides = array<i32>} : memref<16384xf32, #tpu.memory_space<vmem>>, vector<16xf32>,
        tpu.vector_store %arg9[%swap3A_330], %gather3A_325 {strides = array<i32>} : memref<16384xf32, #tpu.memory_space<vmem>>, vector<16xf32>,
        %scan3A_332 = arith.constant 0 : i32
        %scan3A_333 = arith.constant 1 : i32
        %scan3A_334 = arith.addi %scan3A_309, %scan3A_333 : i32
        %mul3A_335 = arith.constant 16 : i32
        %mul3A_336 = arith.muli %scan3A_334, %mul3A_335 : i32
        %get3A_337 = arith.index_cast %mul3A_336 : i32 to index
        %get3A_338 = tpu.vector_load %arg7[%get3A_337] {strides = array<i32>} : memref<4096xi32, #tpu.memory_space<vmem>>, vector<16xi32>,
        %add3A_339 = arith.constant 0 : i32
        %add3A_340 = vector.broadcast %add3A_339 : i32 to vector<16xi32>
        %add3A_341 = arith.addi %get3A_338, %add3A_340 : vector<16xi32>
        %gather3A_342 = tpu.vector_load_idx %arg8[%add3A_341] : memref<65536xf32, #tpu.memory_space<vmem>>[vector<16xi32>], vector<16xf32>,
        %mul3A_343 = arith.constant 16 : i32
        %mul3A_344 = arith.muli %scan3A_334, %mul3A_343 : i32
        %add3A_345 = arith.constant 0 : i32
        %add3A_346 = arith.addi %add3A_345, %mul3A_344 : i32
        %swap3A_347 = arith.index_cast %add3A_346 : i32 to index
        %swap3A_348 = tpu.vector_load %arg9[%swap3A_347] {strides = array<i32>} : memref<16384xf32, #tpu.memory_space<vmem>>, vector<16xf32>,
        tpu.vector_store %arg9[%swap3A_347], %gather3A_342 {strides = array<i32>} : memref<16384xf32, #tpu.memory_space<vmem>>, vector<16xf32>,
        %add3A_349 = arith.constant 16384 : i32
        %add3A_350 = vector.broadcast %add3A_349 : i32 to vector<16xi32>
        %add3A_351 = arith.addi %get3A_338, %add3A_350 : vector<16xi32>
        %gather3A_352 = tpu.vector_load_idx %arg8[%add3A_351] : memref<65536xf32, #tpu.memory_space<vmem>>[vector<16xi32>], vector<16xf32>,
        %mul3A_353 = arith.constant 16 : i32
        %mul3A_354 = arith.muli %scan3A_334, %mul3A_353 : i32
        %add3A_355 = arith.constant 4096 : i32
        %add3A_356 = arith.addi %add3A_355, %mul3A_354 : i32
        %swap3A_357 = arith.index_cast %add3A_356 : i32 to index
        %swap3A_358 = tpu.vector_load %arg9[%swap3A_357] {strides = array<i32>} : memref<16384xf32, #tpu.memory_space<vmem>>, vector<16xf32>,
        tpu.vector_store %arg9[%swap3A_357], %gather3A_352 {strides = array<i32>} : memref<16384xf32, #tpu.memory_space<vmem>>, vector<16xf32>,
        %scan3A_359 = arith.constant 0 : i32
        %scan3A_360 = arith.constant 2 : i32
        %scan3A_361 = arith.addi %scan3A_309, %scan3A_360 : i32
        %mul3A_362 = arith.constant 16 : i32
        %mul3A_363 = arith.muli %scan3A_361, %mul3A_362 : i32
        %get3A_364 = arith.index_cast %mul3A_363 : i32 to index
        %get3A_365 = tpu.vector_load %arg7[%get3A_364] {strides = array<i32>} : memref<4096xi32, #tpu.memory_space<vmem>>, vector<16xi32>,
        %add3A_366 = arith.constant 0 : i32
        %add3A_367 = vector.broadcast %add3A_366 : i32 to vector<16xi32>
        %add3A_368 = arith.addi %get3A_365, %add3A_367 : vector<16xi32>
        %gather3A_369 = tpu.vector_load_idx %arg8[%add3A_368] : memref<65536xf32, #tpu.memory_space<vmem>>[vector<16xi32>], vector<16xf32>,
        %mul3A_370 = arith.constant 16 : i32
        %mul3A_371 = arith.muli %scan3A_361, %mul3A_370 : i32
        %add3A_372 = arith.constant 0 : i32
        %add3A_373 = arith.addi %add3A_372, %mul3A_371 : i32
        %swap3A_374 = arith.index_cast %add3A_373 : i32 to index
        %swap3A_375 = tpu.vector_load %arg9[%swap3A_374] {strides = array<i32>} : memref<16384xf32, #tpu.memory_space<vmem>>, vector<16xf32>,
        tpu.vector_store %arg9[%swap3A_374], %gather3A_369 {strides = array<i32>} : memref<16384xf32, #tpu.memory_space<vmem>>, vector<16xf32>,
        %add3A_376 = arith.constant 16384 : i32
        %add3A_377 = vector.broadcast %add3A_376 : i32 to vector<16xi32>
        %add3A_378 = arith.addi %get3A_365, %add3A_377 : vector<16xi32>
        %gather3A_379 = tpu.vector_load_idx %arg8[%add3A_378] : memref<65536xf32, #tpu.memory_space<vmem>>[vector<16xi32>], vector<16xf32>,
        %mul3A_380 = arith.constant 16 : i32
        %mul3A_381 = arith.muli %scan3A_361, %mul3A_380 : i32
        %add3A_382 = arith.constant 4096 : i32
        %add3A_383 = arith.addi %add3A_382, %mul3A_381 : i32
        %swap3A_384 = arith.index_cast %add3A_383 : i32 to index
        %swap3A_385 = tpu.vector_load %arg9[%swap3A_384] {strides = array<i32>} : memref<16384xf32, #tpu.memory_space<vmem>>, vector<16xf32>,
        tpu.vector_store %arg9[%swap3A_384], %gather3A_379 {strides = array<i32>} : memref<16384xf32, #tpu.memory_space<vmem>>, vector<16xf32>,
        %scan3A_386 = arith.constant 0 : i32
        %scan3A_387 = arith.constant 3 : i32
        %scan3A_388 = arith.addi %scan3A_309, %scan3A_387 : i32
        %mul3A_389 = arith.constant 16 : i32
        %mul3A_390 = arith.muli %scan3A_388, %mul3A_389 : i32
        %get3A_391 = arith.index_cast %mul3A_390 : i32 to index
        %get3A_392 = tpu.vector_load %arg7[%get3A_391] {strides = array<i32>} : memref<4096xi32, #tpu.memory_space<vmem>>, vector<16xi32>,
        %add3A_393 = arith.constant 0 : i32
        %add3A_394 = vector.broadcast %add3A_393 : i32 to vector<16xi32>
        %add3A_395 = arith.addi %get3A_392, %add3A_394 : vector<16xi32>
        %gather3A_396 = tpu.vector_load_idx %arg8[%add3A_395] : memref<65536xf32, #tpu.memory_space<vmem>>[vector<16xi32>], vector<16xf32>,
        %mul3A_397 = arith.constant 16 : i32
        %mul3A_398 = arith.muli %scan3A_388, %mul3A_397 : i32
        %add3A_399 = arith.constant 0 : i32
        %add3A_400 = arith.addi %add3A_399, %mul3A_398 : i32
        %swap3A_401 = arith.index_cast %add3A_400 : i32 to index
        %swap3A_402 = tpu.vector_load %arg9[%swap3A_401] {strides = array<i32>} : memref<16384xf32, #tpu.memory_space<vmem>>, vector<16xf32>,
        tpu.vector_store %arg9[%swap3A_401], %gather3A_396 {strides = array<i32>} : memref<16384xf32, #tpu.memory_space<vmem>>, vector<16xf32>,
        %add3A_403 = arith.constant 16384 : i32
        %add3A_404 = vector.broadcast %add3A_403 : i32 to vector<16xi32>
        %add3A_405 = arith.addi %get3A_392, %add3A_404 : vector<16xi32>
        %gather3A_406 = tpu.vector_load_idx %arg8[%add3A_405] : memref<65536xf32, #tpu.memory_space<vmem>>[vector<16xi32>], vector<16xf32>,
        %mul3A_407 = arith.constant 16 : i32
        %mul3A_408 = arith.muli %scan3A_388, %mul3A_407 : i32
        %add3A_409 = arith.constant 4096 : i32
        %add3A_410 = arith.addi %add3A_409, %mul3A_408 : i32
        %swap3A_411 = arith.index_cast %add3A_410 : i32 to index
        %swap3A_412 = tpu.vector_load %arg9[%swap3A_411] {strides = array<i32>} : memref<16384xf32, #tpu.memory_space<vmem>>, vector<16xf32>,
        tpu.vector_store %arg9[%swap3A_411], %gather3A_406 {strides = array<i32>} : memref<16384xf32, #tpu.memory_space<vmem>>, vector<16xf32>,
        %scan3A_413 = arith.constant 0 : i32
        scf.yield %scan3A_413 : i32
      }
      %scan3A_196 = arith.constant 256 : i32
      %mul3A_197 = arith.constant 2 : i32
      %mul3A_198 = arith.muli %add3A_160, %mul3A_197 : i32
      %add3A_199 = arith.addi %mul3A_32, %mul3A_198 : i32
      %add3A_200 = arith.constant 0 : i32
      %add3A_201 = arith.addi %add3A_199, %add3A_200 : i32
      %add3A_202 = arith.constant 1 : i32
      %add3A_203 = arith.addi %add3A_199, %add3A_202 : i32
      %dma_start3A_204 = arith.constant 0 : i32
      %dma_start3A_205 = tpu.memref_slice %arg9[%dma_start3A_204] : memref<16384xf32, #tpu.memory_space<vmem>> -> memref<4096xf32, #tpu.memory_space<vmem>>
      %dma_start3A_206 = arith.constant 0 : i32
      %dma_start3A_207 = tpu.memref_slice %arg6[%select_n3A, %add3A_201, %dma_start3A_206] : memref<16x256x4096xf32, #tpu.memory_space<hbm>> -> memref<1x1x4096xf32, #tpu.memory_space<hbm>>
      %dma_start3A_208 = tpu.memref_squeeze %dma_start3A_207 : memref<1x1x4096xf32, #tpu.memory_space<hbm>> -> memref<4096xf32, #tpu.memory_space<hbm>>
      %dma_start3A_209 = arith.constant 0 : i32
      %dma_start3A_210 = tpu.memref_slice %arg6[%select_n3A, %add3A_201, %dma_start3A_209] : memref<16x256x4096xf32, #tpu.memory_space<hbm>> -> memref<1x1x4096xf32, #tpu.memory_space<hbm>>
      %dma_start3A_211 = tpu.memref_squeeze %dma_start3A_210 : memref<1x1x4096xf32, #tpu.memory_space<hbm>> -> memref<4096xf32, #tpu.memory_space<hbm>>
      %dma_start3A_212 = arith.constant 0 : i32
      %dma_start3A_213 = tpu.memref_slice %arg9[%dma_start3A_212] : memref<16384xf32, #tpu.memory_space<vmem>> -> memref<4096xf32, #tpu.memory_space<vmem>>
      tpu.enqueue_dma source(%dma_start3A_213 : memref<4096xf32, #tpu.memory_space<vmem>>) target(%dma_start3A_211 : memref<4096xf32, #tpu.memory_space<hbm>>) target_semaphore(%arg13 : memref<!tpu.dma_semaphore, #tpu.memory_space<semaphore_mem>>)
      %dma_start3A_214 = arith.constant 4096 : i32
      %dma_start3A_215 = tpu.memref_slice %arg9[%dma_start3A_214] : memref<16384xf32, #tpu.memory_space<vmem>> -> memref<4096xf32, #tpu.memory_space<vmem>>
      %dma_start3A_216 = arith.constant 0 : i32
      %dma_start3A_217 = tpu.memref_slice %arg6[%select_n3A, %add3A_203, %dma_start3A_216] : memref<16x256x4096xf32, #tpu.memory_space<hbm>> -> memref<1x1x4096xf32, #tpu.memory_space<hbm>>
      %dma_start3A_218 = tpu.memref_squeeze %dma_start3A_217 : memref<1x1x4096xf32, #tpu.memory_space<hbm>> -> memref<4096xf32, #tpu.memory_space<hbm>>
      %dma_start3A_219 = arith.constant 0 : i32
      %dma_start3A_220 = tpu.memref_slice %arg6[%select_n3A, %add3A_203, %dma_start3A_219] : memref<16x256x4096xf32, #tpu.memory_space<hbm>> -> memref<1x1x4096xf32, #tpu.memory_space<hbm>>
      %dma_start3A_221 = tpu.memref_squeeze %dma_start3A_220 : memref<1x1x4096xf32, #tpu.memory_space<hbm>> -> memref<4096xf32, #tpu.memory_space<hbm>>
      %dma_start3A_222 = arith.constant 4096 : i32
      %dma_start3A_223 = tpu.memref_slice %arg9[%dma_start3A_222] : memref<16384xf32, #tpu.memory_space<vmem>> -> memref<4096xf32, #tpu.memory_space<vmem>>
      tpu.enqueue_dma source(%dma_start3A_223 : memref<4096xf32, #tpu.memory_space<vmem>>) target(%dma_start3A_221 : memref<4096xf32, #tpu.memory_space<hbm>>) target_semaphore(%arg13 : memref<!tpu.dma_semaphore, #tpu.memory_space<semaphore_mem>>)
      %add3A_224 = arith.constant 2 : i32
      %add3A_225 = arith.addi %add3A_160, %add3A_224 : i32
      %lt3A_226 = arith.constant 64 : i32
      %lt3A_227 = arith.cmpi slt, %add3A_225, %lt3A_226 : i32
      %convert_element_type3A_228 = arith.extui %lt3A_227 : i1 to i32
      %cond3A_229 = arith.constant 0 : i32
      %cond3A_230 = arith.cmpi ne, %convert_element_type3A_228, %cond3A_229 : i32
      scf.if %cond3A_230 {
        %add3A_309 = arith.constant 2 : i32
        %add3A_310 = arith.addi %add3A_160, %add3A_309 : i32
        %mul3A_311 = arith.constant 2 : i32
        %mul3A_312 = arith.muli %add3A_310, %mul3A_311 : i32
        %add3A_313 = arith.addi %mul3A_32, %mul3A_312 : i32
        %add3A_314 = arith.constant 0 : i32
        %add3A_315 = arith.addi %add3A_313, %add3A_314 : i32
        %add3A_316 = arith.constant 1 : i32
        %add3A_317 = arith.addi %add3A_313, %add3A_316 : i32
        %dma_start3A_318 = arith.constant 0 : i32
        %dma_start3A_319 = tpu.memref_slice %arg8[%dma_start3A_318] : memref<65536xf32, #tpu.memory_space<vmem>> -> memref<16384xf32, #tpu.memory_space<vmem>>
        %dma_start3A_320 = arith.constant 0 : i32
        %dma_start3A_321 = tpu.memref_slice %arg3[%select_n3A, %add3A_315, %dma_start3A_320] : memref<16x256x16384xf32, #tpu.memory_space<hbm>> -> memref<1x1x16384xf32, #tpu.memory_space<hbm>>
        %dma_start3A_322 = tpu.memref_squeeze %dma_start3A_321 : memref<1x1x16384xf32, #tpu.memory_space<hbm>> -> memref<16384xf32, #tpu.memory_space<hbm>>
        %dma_start3A_323 = arith.constant 0 : i32
        %dma_start3A_324 = tpu.memref_slice %arg8[%dma_start3A_323] : memref<65536xf32, #tpu.memory_space<vmem>> -> memref<16384xf32, #tpu.memory_space<vmem>>
        %dma_start3A_325 = arith.constant 0 : i32
        %dma_start3A_326 = tpu.memref_slice %arg3[%select_n3A, %add3A_315, %dma_start3A_325] : memref<16x256x16384xf32, #tpu.memory_space<hbm>> -> memref<1x1x16384xf32, #tpu.memory_space<hbm>>
        %dma_start3A_327 = tpu.memref_squeeze %dma_start3A_326 : memref<1x1x16384xf32, #tpu.memory_space<hbm>> -> memref<16384xf32, #tpu.memory_space<hbm>>
        tpu.enqueue_dma source(%dma_start3A_327 : memref<16384xf32, #tpu.memory_space<hbm>>) target(%dma_start3A_324 : memref<16384xf32, #tpu.memory_space<vmem>>) target_semaphore(%arg11 : memref<!tpu.dma_semaphore, #tpu.memory_space<semaphore_mem>>)
        %dma_start3A_328 = arith.constant 16384 : i32
        %dma_start3A_329 = tpu.memref_slice %arg8[%dma_start3A_328] : memref<65536xf32, #tpu.memory_space<vmem>> -> memref<16384xf32, #tpu.memory_space<vmem>>
        %dma_start3A_330 = arith.constant 0 : i32
        %dma_start3A_331 = tpu.memref_slice %arg3[%select_n3A, %add3A_317, %dma_start3A_330] : memref<16x256x16384xf32, #tpu.memory_space<hbm>> -> memref<1x1x16384xf32, #tpu.memory_space<hbm>>
        %dma_start3A_332 = tpu.memref_squeeze %dma_start3A_331 : memref<1x1x16384xf32, #tpu.memory_space<hbm>> -> memref<16384xf32, #tpu.memory_space<hbm>>
        %dma_start3A_333 = arith.constant 16384 : i32
        %dma_start3A_334 = tpu.memref_slice %arg8[%dma_start3A_333] : memref<65536xf32, #tpu.memory_space<vmem>> -> memref<16384xf32, #tpu.memory_space<vmem>>
        %dma_start3A_335 = arith.constant 0 : i32
        %dma_start3A_336 = tpu.memref_slice %arg3[%select_n3A, %add3A_317, %dma_start3A_335] : memref<16x256x16384xf32, #tpu.memory_space<hbm>> -> memref<1x1x16384xf32, #tpu.memory_space<hbm>>
        %dma_start3A_337 = tpu.memref_squeeze %dma_start3A_336 : memref<1x1x16384xf32, #tpu.memory_space<hbm>> -> memref<16384xf32, #tpu.memory_space<hbm>>
        tpu.enqueue_dma source(%dma_start3A_337 : memref<16384xf32, #tpu.memory_space<hbm>>) target(%dma_start3A_334 : memref<16384xf32, #tpu.memory_space<vmem>>) target_semaphore(%arg11 : memref<!tpu.dma_semaphore, #tpu.memory_space<semaphore_mem>>)
      } else {
      }
      %mul3A_231 = arith.constant 2 : i32
      %mul3A_232 = arith.muli %scan3A_155, %mul3A_231 : i32
      %add3A_233 = arith.constant 1 : i32
      %add3A_234 = arith.addi %mul3A_232, %add3A_233 : i32
      %mul3A_235 = arith.constant 2 : i32
      %mul3A_236 = arith.muli %add3A_234, %mul3A_235 : i32
      %add3A_237 = arith.addi %mul3A_32, %mul3A_236 : i32
      %add3A_238 = arith.constant 0 : i32
      %add3A_239 = arith.addi %add3A_237, %add3A_238 : i32
      %add3A_240 = arith.constant 1 : i32
      %add3A_241 = arith.addi %add3A_237, %add3A_240 : i32
      %dma_wait3A_242 = arith.constant 32768 : i32
      %dma_wait3A_243 = tpu.memref_slice %arg8[%dma_wait3A_242] : memref<65536xf32, #tpu.memory_space<vmem>> -> memref<16384xf32, #tpu.memory_space<vmem>>
      %dma_wait3A_244 = arith.constant 0 : i32
      %dma_wait3A_245 = tpu.memref_slice %arg3[%select_n3A, %add3A_239, %dma_wait3A_244] : memref<16x256x16384xf32, #tpu.memory_space<hbm>> -> memref<1x1x16384xf32, #tpu.memory_space<hbm>>
      %dma_wait3A_246 = tpu.memref_squeeze %dma_wait3A_245 : memref<1x1x16384xf32, #tpu.memory_space<hbm>> -> memref<16384xf32, #tpu.memory_space<hbm>>
      %dma_wait3A_247 = arith.constant 32768 : i32
      %dma_wait3A_248 = tpu.memref_slice %arg8[%dma_wait3A_247] : memref<65536xf32, #tpu.memory_space<vmem>> -> memref<16384xf32, #tpu.memory_space<vmem>>
      %dma_wait3A_249 = arith.constant 0 : i32
      %dma_wait3A_250 = tpu.memref_slice %arg3[%select_n3A, %add3A_239, %dma_wait3A_249] : memref<16x256x16384xf32, #tpu.memory_space<hbm>> -> memref<1x1x16384xf32, #tpu.memory_space<hbm>>
      %dma_wait3A_251 = tpu.memref_squeeze %dma_wait3A_250 : memref<1x1x16384xf32, #tpu.memory_space<hbm>> -> memref<16384xf32, #tpu.memory_space<hbm>>
      tpu.wait_dma2 semaphore(%arg12 : memref<!tpu.dma_semaphore, #tpu.memory_space<semaphore_mem>>) src(%dma_wait3A_251 : memref<16384xf32, #tpu.memory_space<hbm>>) dst(%dma_wait3A_248 : memref<16384xf32, #tpu.memory_space<vmem>>)
      %dma_wait3A_252 = arith.constant 49152 : i32
      %dma_wait3A_253 = tpu.memref_slice %arg8[%dma_wait3A_252] : memref<65536xf32, #tpu.memory_space<vmem>> -> memref<16384xf32, #tpu.memory_space<vmem>>
      %dma_wait3A_254 = arith.constant 0 : i32
      %dma_wait3A_255 = tpu.memref_slice %arg3[%select_n3A, %add3A_241, %dma_wait3A_254] : memref<16x256x16384xf32, #tpu.memory_space<hbm>> -> memref<1x1x16384xf32, #tpu.memory_space<hbm>>
      %dma_wait3A_256 = tpu.memref_squeeze %dma_wait3A_255 : memref<1x1x16384xf32, #tpu.memory_space<hbm>> -> memref<16384xf32, #tpu.memory_space<hbm>>
      %dma_wait3A_257 = arith.constant 49152 : i32
      %dma_wait3A_258 = tpu.memref_slice %arg8[%dma_wait3A_257] : memref<65536xf32, #tpu.memory_space<vmem>> -> memref<16384xf32, #tpu.memory_space<vmem>>
      %dma_wait3A_259 = arith.constant 0 : i32
      %dma_wait3A_260 = tpu.memref_slice %arg3[%select_n3A, %add3A_241, %dma_wait3A_259] : memref<16x256x16384xf32, #tpu.memory_space<hbm>> -> memref<1x1x16384xf32, #tpu.memory_space<hbm>>
      %dma_wait3A_261 = tpu.memref_squeeze %dma_wait3A_260 : memref<1x1x16384xf32, #tpu.memory_space<hbm>> -> memref<16384xf32, #tpu.memory_space<hbm>>
      tpu.wait_dma2 semaphore(%arg12 : memref<!tpu.dma_semaphore, #tpu.memory_space<semaphore_mem>>) src(%dma_wait3A_261 : memref<16384xf32, #tpu.memory_space<hbm>>) dst(%dma_wait3A_258 : memref<16384xf32, #tpu.memory_space<vmem>>)
      %ge3A_262 = arith.constant 2 : i32
      %ge3A_263 = arith.cmpi sge, %add3A_234, %ge3A_262 : i32
      %convert_element_type3A_264 = arith.extui %ge3A_263 : i1 to i32
      %cond3A_265 = arith.constant 0 : i32
      %cond3A_266 = arith.cmpi ne, %convert_element_type3A_264, %cond3A_265 : i32
      scf.if %cond3A_266 {
        %sub3A_309 = arith.constant 2 : i32
        %sub3A_310 = arith.subi %add3A_234, %sub3A_309 : i32
        %mul3A_311 = arith.constant 2 : i32
        %mul3A_312 = arith.muli %sub3A_310, %mul3A_311 : i32
        %add3A_313 = arith.addi %mul3A_32, %mul3A_312 : i32
        %add3A_314 = arith.constant 0 : i32
        %add3A_315 = arith.addi %add3A_313, %add3A_314 : i32
        %add3A_316 = arith.constant 1 : i32
        %add3A_317 = arith.addi %add3A_313, %add3A_316 : i32
        %dma_wait3A_318 = arith.constant 8192 : i32
        %dma_wait3A_319 = tpu.memref_slice %arg9[%dma_wait3A_318] : memref<16384xf32, #tpu.memory_space<vmem>> -> memref<4096xf32, #tpu.memory_space<vmem>>
        %dma_wait3A_320 = arith.constant 0 : i32
        %dma_wait3A_321 = tpu.memref_slice %arg6[%select_n3A, %add3A_315, %dma_wait3A_320] : memref<16x256x4096xf32, #tpu.memory_space<hbm>> -> memref<1x1x4096xf32, #tpu.memory_space<hbm>>
        %dma_wait3A_322 = tpu.memref_squeeze %dma_wait3A_321 : memref<1x1x4096xf32, #tpu.memory_space<hbm>> -> memref<4096xf32, #tpu.memory_space<hbm>>
        %dma_wait3A_323 = arith.constant 0 : i32
        %dma_wait3A_324 = tpu.memref_slice %arg6[%select_n3A, %add3A_315, %dma_wait3A_323] : memref<16x256x4096xf32, #tpu.memory_space<hbm>> -> memref<1x1x4096xf32, #tpu.memory_space<hbm>>
        %dma_wait3A_325 = tpu.memref_squeeze %dma_wait3A_324 : memref<1x1x4096xf32, #tpu.memory_space<hbm>> -> memref<4096xf32, #tpu.memory_space<hbm>>
        %dma_wait3A_326 = arith.constant 8192 : i32
        %dma_wait3A_327 = tpu.memref_slice %arg9[%dma_wait3A_326] : memref<16384xf32, #tpu.memory_space<vmem>> -> memref<4096xf32, #tpu.memory_space<vmem>>
        tpu.wait_dma2 semaphore(%arg14 : memref<!tpu.dma_semaphore, #tpu.memory_space<semaphore_mem>>) src(%dma_wait3A_327 : memref<4096xf32, #tpu.memory_space<vmem>>) dst(%dma_wait3A_325 : memref<4096xf32, #tpu.memory_space<hbm>>)
        %dma_wait3A_328 = arith.constant 12288 : i32
        %dma_wait3A_329 = tpu.memref_slice %arg9[%dma_wait3A_328] : memref<16384xf32, #tpu.memory_space<vmem>> -> memref<4096xf32, #tpu.memory_space<vmem>>
        %dma_wait3A_330 = arith.constant 0 : i32
        %dma_wait3A_331 = tpu.memref_slice %arg6[%select_n3A, %add3A_317, %dma_wait3A_330] : memref<16x256x4096xf32, #tpu.memory_space<hbm>> -> memref<1x1x4096xf32, #tpu.memory_space<hbm>>
        %dma_wait3A_332 = tpu.memref_squeeze %dma_wait3A_331 : memref<1x1x4096xf32, #tpu.memory_space<hbm>> -> memref<4096xf32, #tpu.memory_space<hbm>>
        %dma_wait3A_333 = arith.constant 0 : i32
        %dma_wait3A_334 = tpu.memref_slice %arg6[%select_n3A, %add3A_317, %dma_wait3A_333] : memref<16x256x4096xf32, #tpu.memory_space<hbm>> -> memref<1x1x4096xf32, #tpu.memory_space<hbm>>
        %dma_wait3A_335 = tpu.memref_squeeze %dma_wait3A_334 : memref<1x1x4096xf32, #tpu.memory_space<hbm>> -> memref<4096xf32, #tpu.memory_space<hbm>>
        %dma_wait3A_336 = arith.constant 12288 : i32
        %dma_wait3A_337 = tpu.memref_slice %arg9[%dma_wait3A_336] : memref<16384xf32, #tpu.memory_space<vmem>> -> memref<4096xf32, #tpu.memory_space<vmem>>
        tpu.wait_dma2 semaphore(%arg14 : memref<!tpu.dma_semaphore, #tpu.memory_space<semaphore_mem>>) src(%dma_wait3A_337 : memref<4096xf32, #tpu.memory_space<vmem>>) dst(%dma_wait3A_335 : memref<4096xf32, #tpu.memory_space<hbm>>)
      } else {
      }
      %scan3A_267 = arith.constant 0 : i32
      %scan3A_268 = arith.constant 0 : i32
      %scan3A_269 = arith.constant 256 : i32
      %scan3A_270 = arith.addi %scan3A_268, %scan3A_269 : i32
      %scan3A_271 = arith.constant 4 : i32
      %scan3A_272 = scf.for %scan3A_309 = %scan3A_268 to %scan3A_270 step %scan3A_271 iter_args(%scan3A_310 = %scan3A_267) -> (i32)  : i32 {
        %mul3A_311 = arith.constant 16 : i32
        %mul3A_312 = arith.muli %scan3A_309, %mul3A_311 : i32
        %get3A = arith.index_cast %mul3A_312 : i32 to index
        %get3A_313 = tpu.vector_load %arg7[%get3A] {strides = array<i32>} : memref<4096xi32, #tpu.memory_space<vmem>>, vector<16xi32>,
        %add3A_314 = arith.constant 32768 : i32
        %add3A_315 = vector.broadcast %add3A_314 : i32 to vector<16xi32>
        %add3A_316 = arith.addi %get3A_313, %add3A_315 : vector<16xi32>
        %gather3A = tpu.vector_load_idx %arg8[%add3A_316] : memref<65536xf32, #tpu.memory_space<vmem>>[vector<16xi32>], vector<16xf32>,
        %mul3A_317 = arith.constant 16 : i32
        %mul3A_318 = arith.muli %scan3A_309, %mul3A_317 : i32
        %add3A_319 = arith.constant 8192 : i32
        %add3A_320 = arith.addi %add3A_319, %mul3A_318 : i32
        %swap3A = arith.index_cast %add3A_320 : i32 to index
        %swap3A_321 = tpu.vector_load %arg9[%swap3A] {strides = array<i32>} : memref<16384xf32, #tpu.memory_space<vmem>>, vector<16xf32>,
        tpu.vector_store %arg9[%swap3A], %gather3A {strides = array<i32>} : memref<16384xf32, #tpu.memory_space<vmem>>, vector<16xf32>,
        %add3A_322 = arith.constant 49152 : i32
        %add3A_323 = vector.broadcast %add3A_322 : i32 to vector<16xi32>
        %add3A_324 = arith.addi %get3A_313, %add3A_323 : vector<16xi32>
        %gather3A_325 = tpu.vector_load_idx %arg8[%add3A_324] : memref<65536xf32, #tpu.memory_space<vmem>>[vector<16xi32>], vector<16xf32>,
        %mul3A_326 = arith.constant 16 : i32
        %mul3A_327 = arith.muli %scan3A_309, %mul3A_326 : i32
        %add3A_328 = arith.constant 12288 : i32
        %add3A_329 = arith.addi %add3A_328, %mul3A_327 : i32
        %swap3A_330 = arith.index_cast %add3A_329 : i32 to index
        %swap3A_331 = tpu.vector_load %arg9[%swap3A_330] {strides = array<i32>} : memref<16384xf32, #tpu.memory_space<vmem>>, vector<16xf32>,
        tpu.vector_store %arg9[%swap3A_330], %gather3A_325 {strides = array<i32>} : memref<16384xf32, #tpu.memory_space<vmem>>, vector<16xf32>,
        %scan3A_332 = arith.constant 0 : i32
        %scan3A_333 = arith.constant 1 : i32
        %scan3A_334 = arith.addi %scan3A_309, %scan3A_333 : i32
        %mul3A_335 = arith.constant 16 : i32
        %mul3A_336 = arith.muli %scan3A_334, %mul3A_335 : i32
        %get3A_337 = arith.index_cast %mul3A_336 : i32 to index
        %get3A_338 = tpu.vector_load %arg7[%get3A_337] {strides = array<i32>} : memref<4096xi32, #tpu.memory_space<vmem>>, vector<16xi32>,
        %add3A_339 = arith.constant 32768 : i32
        %add3A_340 = vector.broadcast %add3A_339 : i32 to vector<16xi32>
        %add3A_341 = arith.addi %get3A_338, %add3A_340 : vector<16xi32>
        %gather3A_342 = tpu.vector_load_idx %arg8[%add3A_341] : memref<65536xf32, #tpu.memory_space<vmem>>[vector<16xi32>], vector<16xf32>,
        %mul3A_343 = arith.constant 16 : i32
        %mul3A_344 = arith.muli %scan3A_334, %mul3A_343 : i32
        %add3A_345 = arith.constant 8192 : i32
        %add3A_346 = arith.addi %add3A_345, %mul3A_344 : i32
        %swap3A_347 = arith.index_cast %add3A_346 : i32 to index
        %swap3A_348 = tpu.vector_load %arg9[%swap3A_347] {strides = array<i32>} : memref<16384xf32, #tpu.memory_space<vmem>>, vector<16xf32>,
        tpu.vector_store %arg9[%swap3A_347], %gather3A_342 {strides = array<i32>} : memref<16384xf32, #tpu.memory_space<vmem>>, vector<16xf32>,
        %add3A_349 = arith.constant 49152 : i32
        %add3A_350 = vector.broadcast %add3A_349 : i32 to vector<16xi32>
        %add3A_351 = arith.addi %get3A_338, %add3A_350 : vector<16xi32>
        %gather3A_352 = tpu.vector_load_idx %arg8[%add3A_351] : memref<65536xf32, #tpu.memory_space<vmem>>[vector<16xi32>], vector<16xf32>,
        %mul3A_353 = arith.constant 16 : i32
        %mul3A_354 = arith.muli %scan3A_334, %mul3A_353 : i32
        %add3A_355 = arith.constant 12288 : i32
        %add3A_356 = arith.addi %add3A_355, %mul3A_354 : i32
        %swap3A_357 = arith.index_cast %add3A_356 : i32 to index
        %swap3A_358 = tpu.vector_load %arg9[%swap3A_357] {strides = array<i32>} : memref<16384xf32, #tpu.memory_space<vmem>>, vector<16xf32>,
        tpu.vector_store %arg9[%swap3A_357], %gather3A_352 {strides = array<i32>} : memref<16384xf32, #tpu.memory_space<vmem>>, vector<16xf32>,
        %scan3A_359 = arith.constant 0 : i32
        %scan3A_360 = arith.constant 2 : i32
        %scan3A_361 = arith.addi %scan3A_309, %scan3A_360 : i32
        %mul3A_362 = arith.constant 16 : i32
        %mul3A_363 = arith.muli %scan3A_361, %mul3A_362 : i32
        %get3A_364 = arith.index_cast %mul3A_363 : i32 to index
        %get3A_365 = tpu.vector_load %arg7[%get3A_364] {strides = array<i32>} : memref<4096xi32, #tpu.memory_space<vmem>>, vector<16xi32>,
        %add3A_366 = arith.constant 32768 : i32
        %add3A_367 = vector.broadcast %add3A_366 : i32 to vector<16xi32>
        %add3A_368 = arith.addi %get3A_365, %add3A_367 : vector<16xi32>
        %gather3A_369 = tpu.vector_load_idx %arg8[%add3A_368] : memref<65536xf32, #tpu.memory_space<vmem>>[vector<16xi32>], vector<16xf32>,
        %mul3A_370 = arith.constant 16 : i32
        %mul3A_371 = arith.muli %scan3A_361, %mul3A_370 : i32
        %add3A_372 = arith.constant 8192 : i32
        %add3A_373 = arith.addi %add3A_372, %mul3A_371 : i32
        %swap3A_374 = arith.index_cast %add3A_373 : i32 to index
        %swap3A_375 = tpu.vector_load %arg9[%swap3A_374] {strides = array<i32>} : memref<16384xf32, #tpu.memory_space<vmem>>, vector<16xf32>,
        tpu.vector_store %arg9[%swap3A_374], %gather3A_369 {strides = array<i32>} : memref<16384xf32, #tpu.memory_space<vmem>>, vector<16xf32>,
        %add3A_376 = arith.constant 49152 : i32
        %add3A_377 = vector.broadcast %add3A_376 : i32 to vector<16xi32>
        %add3A_378 = arith.addi %get3A_365, %add3A_377 : vector<16xi32>
        %gather3A_379 = tpu.vector_load_idx %arg8[%add3A_378] : memref<65536xf32, #tpu.memory_space<vmem>>[vector<16xi32>], vector<16xf32>,
        %mul3A_380 = arith.constant 16 : i32
        %mul3A_381 = arith.muli %scan3A_361, %mul3A_380 : i32
        %add3A_382 = arith.constant 12288 : i32
        %add3A_383 = arith.addi %add3A_382, %mul3A_381 : i32
        %swap3A_384 = arith.index_cast %add3A_383 : i32 to index
        %swap3A_385 = tpu.vector_load %arg9[%swap3A_384] {strides = array<i32>} : memref<16384xf32, #tpu.memory_space<vmem>>, vector<16xf32>,
        tpu.vector_store %arg9[%swap3A_384], %gather3A_379 {strides = array<i32>} : memref<16384xf32, #tpu.memory_space<vmem>>, vector<16xf32>,
        %scan3A_386 = arith.constant 0 : i32
        %scan3A_387 = arith.constant 3 : i32
        %scan3A_388 = arith.addi %scan3A_309, %scan3A_387 : i32
        %mul3A_389 = arith.constant 16 : i32
        %mul3A_390 = arith.muli %scan3A_388, %mul3A_389 : i32
        %get3A_391 = arith.index_cast %mul3A_390 : i32 to index
        %get3A_392 = tpu.vector_load %arg7[%get3A_391] {strides = array<i32>} : memref<4096xi32, #tpu.memory_space<vmem>>, vector<16xi32>,
        %add3A_393 = arith.constant 32768 : i32
        %add3A_394 = vector.broadcast %add3A_393 : i32 to vector<16xi32>
        %add3A_395 = arith.addi %get3A_392, %add3A_394 : vector<16xi32>
        %gather3A_396 = tpu.vector_load_idx %arg8[%add3A_395] : memref<65536xf32, #tpu.memory_space<vmem>>[vector<16xi32>], vector<16xf32>,
        %mul3A_397 = arith.constant 16 : i32
        %mul3A_398 = arith.muli %scan3A_388, %mul3A_397 : i32
        %add3A_399 = arith.constant 8192 : i32
        %add3A_400 = arith.addi %add3A_399, %mul3A_398 : i32
        %swap3A_401 = arith.index_cast %add3A_400 : i32 to index
        %swap3A_402 = tpu.vector_load %arg9[%swap3A_401] {strides = array<i32>} : memref<16384xf32, #tpu.memory_space<vmem>>, vector<16xf32>,
        tpu.vector_store %arg9[%swap3A_401], %gather3A_396 {strides = array<i32>} : memref<16384xf32, #tpu.memory_space<vmem>>, vector<16xf32>,
        %add3A_403 = arith.constant 49152 : i32
        %add3A_404 = vector.broadcast %add3A_403 : i32 to vector<16xi32>
        %add3A_405 = arith.addi %get3A_392, %add3A_404 : vector<16xi32>
        %gather3A_406 = tpu.vector_load_idx %arg8[%add3A_405] : memref<65536xf32, #tpu.memory_space<vmem>>[vector<16xi32>], vector<16xf32>,
        %mul3A_407 = arith.constant 16 : i32
        %mul3A_408 = arith.muli %scan3A_388, %mul3A_407 : i32
        %add3A_409 = arith.constant 12288 : i32
        %add3A_410 = arith.addi %add3A_409, %mul3A_408 : i32
        %swap3A_411 = arith.index_cast %add3A_410 : i32 to index
        %swap3A_412 = tpu.vector_load %arg9[%swap3A_411] {strides = array<i32>} : memref<16384xf32, #tpu.memory_space<vmem>>, vector<16xf32>,
        tpu.vector_store %arg9[%swap3A_411], %gather3A_406 {strides = array<i32>} : memref<16384xf32, #tpu.memory_space<vmem>>, vector<16xf32>,
        %scan3A_413 = arith.constant 0 : i32
        scf.yield %scan3A_413 : i32
      }
      %scan3A_273 = arith.constant 256 : i32
      %mul3A_274 = arith.constant 2 : i32
      %mul3A_275 = arith.muli %add3A_234, %mul3A_274 : i32
      %add3A_276 = arith.addi %mul3A_32, %mul3A_275 : i32
      %add3A_277 = arith.constant 0 : i32
      %add3A_278 = arith.addi %add3A_276, %add3A_277 : i32
      %add3A_279 = arith.constant 1 : i32
      %add3A_280 = arith.addi %add3A_276, %add3A_279 : i32
      %dma_start3A_281 = arith.constant 8192 : i32
      %dma_start3A_282 = tpu.memref_slice %arg9[%dma_start3A_281] : memref<16384xf32, #tpu.memory_space<vmem>> -> memref<4096xf32, #tpu.memory_space<vmem>>
      %dma_start3A_283 = arith.constant 0 : i32
      %dma_start3A_284 = tpu.memref_slice %arg6[%select_n3A, %add3A_278, %dma_start3A_283] : memref<16x256x4096xf32, #tpu.memory_space<hbm>> -> memref<1x1x4096xf32, #tpu.memory_space<hbm>>
      %dma_start3A_285 = tpu.memref_squeeze %dma_start3A_284 : memref<1x1x4096xf32, #tpu.memory_space<hbm>> -> memref<4096xf32, #tpu.memory_space<hbm>>
      %dma_start3A_286 = arith.constant 0 : i32
      %dma_start3A_287 = tpu.memref_slice %arg6[%select_n3A, %add3A_278, %dma_start3A_286] : memref<16x256x4096xf32, #tpu.memory_space<hbm>> -> memref<1x1x4096xf32, #tpu.memory_space<hbm>>
      %dma_start3A_288 = tpu.memref_squeeze %dma_start3A_287 : memref<1x1x4096xf32, #tpu.memory_space<hbm>> -> memref<4096xf32, #tpu.memory_space<hbm>>
      %dma_start3A_289 = arith.constant 8192 : i32
      %dma_start3A_290 = tpu.memref_slice %arg9[%dma_start3A_289] : memref<16384xf32, #tpu.memory_space<vmem>> -> memref<4096xf32, #tpu.memory_space<vmem>>
      tpu.enqueue_dma source(%dma_start3A_290 : memref<4096xf32, #tpu.memory_space<vmem>>) target(%dma_start3A_288 : memref<4096xf32, #tpu.memory_space<hbm>>) target_semaphore(%arg14 : memref<!tpu.dma_semaphore, #tpu.memory_space<semaphore_mem>>)
      %dma_start3A_291 = arith.constant 12288 : i32
      %dma_start3A_292 = tpu.memref_slice %arg9[%dma_start3A_291] : memref<16384xf32, #tpu.memory_space<vmem>> -> memref<4096xf32, #tpu.memory_space<vmem>>
      %dma_start3A_293 = arith.constant 0 : i32
      %dma_start3A_294 = tpu.memref_slice %arg6[%select_n3A, %add3A_280, %dma_start3A_293] : memref<16x256x4096xf32, #tpu.memory_space<hbm>> -> memref<1x1x4096xf32, #tpu.memory_space<hbm>>
      %dma_start3A_295 = tpu.memref_squeeze %dma_start3A_294 : memref<1x1x4096xf32, #tpu.memory_space<hbm>> -> memref<4096xf32, #tpu.memory_space<hbm>>
      %dma_start3A_296 = arith.constant 0 : i32
      %dma_start3A_297 = tpu.memref_slice %arg6[%select_n3A, %add3A_280, %dma_start3A_296] : memref<16x256x4096xf32, #tpu.memory_space<hbm>> -> memref<1x1x4096xf32, #tpu.memory_space<hbm>>
      %dma_start3A_298 = tpu.memref_squeeze %dma_start3A_297 : memref<1x1x4096xf32, #tpu.memory_space<hbm>> -> memref<4096xf32, #tpu.memory_space<hbm>>
      %dma_start3A_299 = arith.constant 12288 : i32
      %dma_start3A_300 = tpu.memref_slice %arg9[%dma_start3A_299] : memref<16384xf32, #tpu.memory_space<vmem>> -> memref<4096xf32, #tpu.memory_space<vmem>>
      tpu.enqueue_dma source(%dma_start3A_300 : memref<4096xf32, #tpu.memory_space<vmem>>) target(%dma_start3A_298 : memref<4096xf32, #tpu.memory_space<hbm>>) target_semaphore(%arg14 : memref<!tpu.dma_semaphore, #tpu.memory_space<semaphore_mem>>)
      %add3A_301 = arith.constant 2 : i32
      %add3A_302 = arith.addi %add3A_234, %add3A_301 : i32
      %lt3A_303 = arith.constant 64 : i32
      %lt3A_304 = arith.cmpi slt, %add3A_302, %lt3A_303 : i32
      %convert_element_type3A_305 = arith.extui %lt3A_304 : i1 to i32
      %cond3A_306 = arith.constant 0 : i32
      %cond3A_307 = arith.cmpi ne, %convert_element_type3A_305, %cond3A_306 : i32
      scf.if %cond3A_307 {
        %add3A_309 = arith.constant 2 : i32
        %add3A_310 = arith.addi %add3A_234, %add3A_309 : i32
        %mul3A_311 = arith.constant 2 : i32
        %mul3A_312 = arith.muli %add3A_310, %mul3A_311 : i32
        %add3A_313 = arith.addi %mul3A_32, %mul3A_312 : i32
        %add3A_314 = arith.constant 0 : i32
        %add3A_315 = arith.addi %add3A_313, %add3A_314 : i32
        %add3A_316 = arith.constant 1 : i32
        %add3A_317 = arith.addi %add3A_313, %add3A_316 : i32
        %dma_start3A_318 = arith.constant 32768 : i32
        %dma_start3A_319 = tpu.memref_slice %arg8[%dma_start3A_318] : memref<65536xf32, #tpu.memory_space<vmem>> -> memref<16384xf32, #tpu.memory_space<vmem>>
        %dma_start3A_320 = arith.constant 0 : i32
        %dma_start3A_321 = tpu.memref_slice %arg3[%select_n3A, %add3A_315, %dma_start3A_320] : memref<16x256x16384xf32, #tpu.memory_space<hbm>> -> memref<1x1x16384xf32, #tpu.memory_space<hbm>>
        %dma_start3A_322 = tpu.memref_squeeze %dma_start3A_321 : memref<1x1x16384xf32, #tpu.memory_space<hbm>> -> memref<16384xf32, #tpu.memory_space<hbm>>
        %dma_start3A_323 = arith.constant 32768 : i32
        %dma_start3A_324 = tpu.memref_slice %arg8[%dma_start3A_323] : memref<65536xf32, #tpu.memory_space<vmem>> -> memref<16384xf32, #tpu.memory_space<vmem>>
        %dma_start3A_325 = arith.constant 0 : i32
        %dma_start3A_326 = tpu.memref_slice %arg3[%select_n3A, %add3A_315, %dma_start3A_325] : memref<16x256x16384xf32, #tpu.memory_space<hbm>> -> memref<1x1x16384xf32, #tpu.memory_space<hbm>>
        %dma_start3A_327 = tpu.memref_squeeze %dma_start3A_326 : memref<1x1x16384xf32, #tpu.memory_space<hbm>> -> memref<16384xf32, #tpu.memory_space<hbm>>
        tpu.enqueue_dma source(%dma_start3A_327 : memref<16384xf32, #tpu.memory_space<hbm>>) target(%dma_start3A_324 : memref<16384xf32, #tpu.memory_space<vmem>>) target_semaphore(%arg12 : memref<!tpu.dma_semaphore, #tpu.memory_space<semaphore_mem>>)
        %dma_start3A_328 = arith.constant 49152 : i32
        %dma_start3A_329 = tpu.memref_slice %arg8[%dma_start3A_328] : memref<65536xf32, #tpu.memory_space<vmem>> -> memref<16384xf32, #tpu.memory_space<vmem>>
        %dma_start3A_330 = arith.constant 0 : i32
        %dma_start3A_331 = tpu.memref_slice %arg3[%select_n3A, %add3A_317, %dma_start3A_330] : memref<16x256x16384xf32, #tpu.memory_space<hbm>> -> memref<1x1x16384xf32, #tpu.memory_space<hbm>>
        %dma_start3A_332 = tpu.memref_squeeze %dma_start3A_331 : memref<1x1x16384xf32, #tpu.memory_space<hbm>> -> memref<16384xf32, #tpu.memory_space<hbm>>
        %dma_start3A_333 = arith.constant 49152 : i32
        %dma_start3A_334 = tpu.memref_slice %arg8[%dma_start3A_333] : memref<65536xf32, #tpu.memory_space<vmem>> -> memref<16384xf32, #tpu.memory_space<vmem>>
        %dma_start3A_335 = arith.constant 0 : i32
        %dma_start3A_336 = tpu.memref_slice %arg3[%select_n3A, %add3A_317, %dma_start3A_335] : memref<16x256x16384xf32, #tpu.memory_space<hbm>> -> memref<1x1x16384xf32, #tpu.memory_space<hbm>>
        %dma_start3A_337 = tpu.memref_squeeze %dma_start3A_336 : memref<1x1x16384xf32, #tpu.memory_space<hbm>> -> memref<16384xf32, #tpu.memory_space<hbm>>
        tpu.enqueue_dma source(%dma_start3A_337 : memref<16384xf32, #tpu.memory_space<hbm>>) target(%dma_start3A_334 : memref<16384xf32, #tpu.memory_space<vmem>>) target_semaphore(%arg12 : memref<!tpu.dma_semaphore, #tpu.memory_space<semaphore_mem>>)
      } else {
      }
      %scan3A_308 = arith.constant 0 : i32
      scf.yield %scan3A_308 : i32
    }
    %scan3A_103 = arith.constant 32 : i32
    %add3A_104 = arith.constant 124 : i32
    %add3A_105 = arith.addi %mul3A_32, %add3A_104 : i32
    %add3A_106 = arith.constant 0 : i32
    %add3A_107 = arith.addi %add3A_105, %add3A_106 : i32
    %add3A_108 = arith.constant 1 : i32
    %add3A_109 = arith.addi %add3A_105, %add3A_108 : i32
    %dma_wait3A = arith.constant 0 : i32
    %dma_wait3A_110 = tpu.memref_slice %arg9[%dma_wait3A] : memref<16384xf32, #tpu.memory_space<vmem>> -> memref<4096xf32, #tpu.memory_space<vmem>>
    %dma_wait3A_111 = arith.constant 0 : i32
    %dma_wait3A_112 = tpu.memref_slice %arg6[%select_n3A, %add3A_107, %dma_wait3A_111] : memref<16x256x4096xf32, #tpu.memory_space<hbm>> -> memref<1x1x4096xf32, #tpu.memory_space<hbm>>
    %dma_wait3A_113 = tpu.memref_squeeze %dma_wait3A_112 : memref<1x1x4096xf32, #tpu.memory_space<hbm>> -> memref<4096xf32, #tpu.memory_space<hbm>>
    %dma_wait3A_114 = arith.constant 0 : i32
    %dma_wait3A_115 = tpu.memref_slice %arg6[%select_n3A, %add3A_107, %dma_wait3A_114] : memref<16x256x4096xf32, #tpu.memory_space<hbm>> -> memref<1x1x4096xf32, #tpu.memory_space<hbm>>
    %dma_wait3A_116 = tpu.memref_squeeze %dma_wait3A_115 : memref<1x1x4096xf32, #tpu.memory_space<hbm>> -> memref<4096xf32, #tpu.memory_space<hbm>>
    %dma_wait3A_117 = arith.constant 0 : i32
    %dma_wait3A_118 = tpu.memref_slice %arg9[%dma_wait3A_117] : memref<16384xf32, #tpu.memory_space<vmem>> -> memref<4096xf32, #tpu.memory_space<vmem>>
    tpu.wait_dma2 semaphore(%arg13 : memref<!tpu.dma_semaphore, #tpu.memory_space<semaphore_mem>>) src(%dma_wait3A_118 : memref<4096xf32, #tpu.memory_space<vmem>>) dst(%dma_wait3A_116 : memref<4096xf32, #tpu.memory_space<hbm>>)
    %dma_wait3A_119 = arith.constant 4096 : i32
    %dma_wait3A_120 = tpu.memref_slice %arg9[%dma_wait3A_119] : memref<16384xf32, #tpu.memory_space<vmem>> -> memref<4096xf32, #tpu.memory_space<vmem>>
    %dma_wait3A_121 = arith.constant 0 : i32
    %dma_wait3A_122 = tpu.memref_slice %arg6[%select_n3A, %add3A_109, %dma_wait3A_121] : memref<16x256x4096xf32, #tpu.memory_space<hbm>> -> memref<1x1x4096xf32, #tpu.memory_space<hbm>>
    %dma_wait3A_123 = tpu.memref_squeeze %dma_wait3A_122 : memref<1x1x4096xf32, #tpu.memory_space<hbm>> -> memref<4096xf32, #tpu.memory_space<hbm>>
    %dma_wait3A_124 = arith.constant 0 : i32
    %dma_wait3A_125 = tpu.memref_slice %arg6[%select_n3A, %add3A_109, %dma_wait3A_124] : memref<16x256x4096xf32, #tpu.memory_space<hbm>> -> memref<1x1x4096xf32, #tpu.memory_space<hbm>>
    %dma_wait3A_126 = tpu.memref_squeeze %dma_wait3A_125 : memref<1x1x4096xf32, #tpu.memory_space<hbm>> -> memref<4096xf32, #tpu.memory_space<hbm>>
    %dma_wait3A_127 = arith.constant 4096 : i32
    %dma_wait3A_128 = tpu.memref_slice %arg9[%dma_wait3A_127] : memref<16384xf32, #tpu.memory_space<vmem>> -> memref<4096xf32, #tpu.memory_space<vmem>>
    tpu.wait_dma2 semaphore(%arg13 : memref<!tpu.dma_semaphore, #tpu.memory_space<semaphore_mem>>) src(%dma_wait3A_128 : memref<4096xf32, #tpu.memory_space<vmem>>) dst(%dma_wait3A_126 : memref<4096xf32, #tpu.memory_space<hbm>>)
    %add3A_129 = arith.constant 126 : i32
    %add3A_130 = arith.addi %mul3A_32, %add3A_129 : i32
    %add3A_131 = arith.constant 0 : i32
    %add3A_132 = arith.addi %add3A_130, %add3A_131 : i32
    %add3A_133 = arith.constant 1 : i32
    %add3A_134 = arith.addi %add3A_130, %add3A_133 : i32
    %dma_wait3A_135 = arith.constant 8192 : i32
    %dma_wait3A_136 = tpu.memref_slice %arg9[%dma_wait3A_135] : memref<16384xf32, #tpu.memory_space<vmem>> -> memref<4096xf32, #tpu.memory_space<vmem>>
    %dma_wait3A_137 = arith.constant 0 : i32
    %dma_wait3A_138 = tpu.memref_slice %arg6[%select_n3A, %add3A_132, %dma_wait3A_137] : memref<16x256x4096xf32, #tpu.memory_space<hbm>> -> memref<1x1x4096xf32, #tpu.memory_space<hbm>>
    %dma_wait3A_139 = tpu.memref_squeeze %dma_wait3A_138 : memref<1x1x4096xf32, #tpu.memory_space<hbm>> -> memref<4096xf32, #tpu.memory_space<hbm>>
    %dma_wait3A_140 = arith.constant 0 : i32
    %dma_wait3A_141 = tpu.memref_slice %arg6[%select_n3A, %add3A_132, %dma_wait3A_140] : memref<16x256x4096xf32, #tpu.memory_space<hbm>> -> memref<1x1x4096xf32, #tpu.memory_space<hbm>>
    %dma_wait3A_142 = tpu.memref_squeeze %dma_wait3A_141 : memref<1x1x4096xf32, #tpu.memory_space<hbm>> -> memref<4096xf32, #tpu.memory_space<hbm>>
    %dma_wait3A_143 = arith.constant 8192 : i32
    %dma_wait3A_144 = tpu.memref_slice %arg9[%dma_wait3A_143] : memref<16384xf32, #tpu.memory_space<vmem>> -> memref<4096xf32, #tpu.memory_space<vmem>>
    tpu.wait_dma2 semaphore(%arg14 : memref<!tpu.dma_semaphore, #tpu.memory_space<semaphore_mem>>) src(%dma_wait3A_144 : memref<4096xf32, #tpu.memory_space<vmem>>) dst(%dma_wait3A_142 : memref<4096xf32, #tpu.memory_space<hbm>>)
    %dma_wait3A_145 = arith.constant 12288 : i32
    %dma_wait3A_146 = tpu.memref_slice %arg9[%dma_wait3A_145] : memref<16384xf32, #tpu.memory_space<vmem>> -> memref<4096xf32, #tpu.memory_space<vmem>>
    %dma_wait3A_147 = arith.constant 0 : i32
    %dma_wait3A_148 = tpu.memref_slice %arg6[%select_n3A, %add3A_134, %dma_wait3A_147] : memref<16x256x4096xf32, #tpu.memory_space<hbm>> -> memref<1x1x4096xf32, #tpu.memory_space<hbm>>
    %dma_wait3A_149 = tpu.memref_squeeze %dma_wait3A_148 : memref<1x1x4096xf32, #tpu.memory_space<hbm>> -> memref<4096xf32, #tpu.memory_space<hbm>>
    %dma_wait3A_150 = arith.constant 0 : i32
    %dma_wait3A_151 = tpu.memref_slice %arg6[%select_n3A, %add3A_134, %dma_wait3A_150] : memref<16x256x4096xf32, #tpu.memory_space<hbm>> -> memref<1x1x4096xf32, #tpu.memory_space<hbm>>
    %dma_wait3A_152 = tpu.memref_squeeze %dma_wait3A_151 : memref<1x1x4096xf32, #tpu.memory_space<hbm>> -> memref<4096xf32, #tpu.memory_space<hbm>>
    %dma_wait3A_153 = arith.constant 12288 : i32
    %dma_wait3A_154 = tpu.memref_slice %arg9[%dma_wait3A_153] : memref<16384xf32, #tpu.memory_space<vmem>> -> memref<4096xf32, #tpu.memory_space<vmem>>
    tpu.wait_dma2 semaphore(%arg14 : memref<!tpu.dma_semaphore, #tpu.memory_space<semaphore_mem>>) src(%dma_wait3A_154 : memref<4096xf32, #tpu.memory_space<vmem>>) dst(%dma_wait3A_152 : memref<4096xf32, #tpu.memory_space<hbm>>)
    return
  }
}

</mosaic_0001>

<sc_bundles>
// kernel: _sc_gather.3.cloned.1.call-start
scs
__scs_entry_jumppad:
0x0: {  	(pc) =	sbr.rel $0x88, $3  }
0x1: {  	(tag) =	ssettag $0x0;
	lr =	simm.s32 $0x1  }
0x2: {  	[smem:$0x3F9E] =	sst lr;
	_ =	strace $0xD0000000  }
0x3: {  	_ = 	snop  }
0x4: {  	_ = 	snop  }
0x5: {  	_ = 	snop  }
0x6: {  	_ = 	snop  }
0x7: {  	_ = 	snop  }
__scs_overlays_trampoline_lowered:
0x8: {  	[smem:$0x3FAD] =	sst s0  }
0x9: {  	[smem:$0x3FAE] =	sst s1  }
0xa: {  	[smem:$0x3FAF] =	sst s2  }
0xb: {  	[smem:$0x3FB0] =	sst s3  }
0xc: {  	[smem:$0x3FB1] =	sst s4  }
0xd: {  	[smem:$0x3FB2] =	sst s5  }
0xe: {  	[smem:$0x3FB3] =	sst s6  }
0xf: {  	[smem:$0x3FB4] =	sst s7  }
0x10: {  	[smem:$0x3FB5] =	sst s8  }
0x11: {  	[smem:$0x3FB6] =	sst s9;
	s0 =	simm.s32 @!p0 $0x0  }
0x12: {  	s1 =	sld [smem:$0x3F9C];
	s0 =	simm.s32 @p0 $0x1  }
0x13: {  	[smem:$0x3FB7] =	sst s0;
	s0 =	simm.s32 @!p1 $0x0  }
0x14: {  	s2 =	sld [smem:$0x3F9B];
	s0 =	simm.s32 @p1 $0x1  }
0x15: {  	[smem:$0x3FB8] =	sst s0;
	s0 =	simm.s32 @!p2 $0x0  }
0x16: {  	s3 =	sld [smem:$0x3FDB];
	s0 =	simm.s32 @p2 $0x1  }
0x17: {  	s4 =	simm.s32 $0x1BF5;
	[smem:$0x3FBA] =	sst s0  }
0x18: {  	s0 =	sld [smem:$0x3F9D];
	_ =	swait.ge [sflag:s4], $0x0  }
0x19: {  	s7 =	sld [smem:$0x3F9E]  }
0x1a: {  	s8 =	sadd.s32 $0xFFFFE003, lr  }
0x1b: {  	s9 =	sadd.s32 $0xFFFFFEF7, lr;
	s5 =	simm.s32 $0xFFFFFFFF;
	p2 =	slt.u32 s8, $0xFFFFF086  }
0x1c: {  	p1 =	slt.u32 s9, $0xF7A;
	s5 =	simm.s32 @!p2 $0x0  }
0x1d: {  	s5 =	simm.s32 @p1 $0x1;
	p0 =	seq.s32 s7, s2  }
0x1e: {  	s7 =	smul.u32 @!p0 $0xF7A, s2;
	p2 =	seq.s32 @!p0 s5, $0x0  }
0x1f: {  	s9 =	smul.u32 $0xF7A, s1;
	s8 =	simm.s32 @!p0 $0x1BF5;
	p2 =	por !p2, p0  }
0x20: {  	[sflag:s8] =	ssyncset.s32 @!p0 $0xFFFFF086;
	s6 =	sadd.s32 @!p0 s3, s7;
	s7 =	simm.s32 @!p0 $0x108  }
0x21: {  	s3 =	sadd.s32 s3, s9;
	s6 =	sadd.s32 @!p0 $0x88, s6;
	s7 =	simm.s32 @p2 $0x1082  }
0x22: {  	[simem:s7], [sflag:s8] =	dma.local @!p0 [hbm:s6], $0xF7A  }
0x23: {  	s9 =	sor.u32 $0xD0000000, s2;
	s6 =	simm.s32 $0x108;
	_ =	swait.ge @!p0 [sflag:s8], $0x0  }
0x24: {  	s3 =	sadd.s32 $0x88, s3;
	s6 =	simm.s32 @!p1 $0x1082;
	[sflag:s4] =	ssyncset.s32 $0xFFFFF086  }
0x25: {  	[simem:s6], [sflag:s4] =	dma.local [hbm:s3], $0xF7A  }
0x26: {  	[smem:$0x3F9E] =	sst s1;
	(tag) =	ssettag s2;
	_ =	strace s9  }
0x27: {  	s1 =	sld [smem:$0x3FAE]  }
0x28: {  	s2 =	sld [smem:$0x3FAF]  }
0x29: {  	s4 =	sld [smem:$0x3FB1]  }
0x2a: {  	p0 =	seq.s32 s5, $0x0;
	s5 =	sld [smem:$0x3FB2]  }
0x2b: {  	s6 =	sld [smem:$0x3FB3]  }
0x2c: {  	s7 =	sld [smem:$0x3FB4]  }
0x2d: {  	s3 =	simm.s32 $0x108;
	s8 =	sld [smem:$0x3FB5]  }
0x2e: {  	s3 =	simm.s32 @!p0 $0x1082;
	s9 =	sld [smem:$0x3FB6]  }
0x2f: {  	lr =	sadd.s32 s0, s3;
	s0 =	sld [smem:$0x3FAD]  }
0x30: {  	s3 =	sld [smem:$0x3FB0]  }
0x31: {  	[smem:$0x3FB9] =	sst s10  }
0x32: {  	s10 =	sld [smem:$0x3FB7];
	_ =	sdelay $0x3  }
0x33: {  	p0 =	seq.s32 s10, $0x1;
	s10 =	sld [smem:$0x3FB9];
	_ =	sdelay $0x3  }
0x34: {  	[smem:$0x3FB9] =	sst s10  }
0x35: {  	s10 =	sld [smem:$0x3FB8];
	_ =	sdelay $0x3  }
0x36: {  	p1 =	seq.s32 s10, $0x1;
	s10 =	sld [smem:$0x3FB9];
	_ =	sdelay $0x3  }
0x37: {  	[smem:$0x3FB9] =	sst s10  }
0x38: {  	s10 =	sld [smem:$0x3FBA]  }
0x39: {  	_ = 	snop;
	(pc) =	sbr.ind lr, $3  }
0x3a: {  	_ = 	snop  }
0x3b: {  	_ = 	snop  }
0x3c: {  	p2 =	seq.s32 s10, $0x1;
	s10 =	sld [smem:$0x3FB9]  }
0x3d: {  	_ =	shalt  }
0x3e: {  	_ =	shalt  }
0x3f: {  	_ =	shalt  }
0x40: {  	_ =	shalt  }
0x41: {  	_ =	shalt  }
0x42: {  	_ =	shalt  }
0x43: {  	_ =	shalt  }
0x44: {  	_ =	shalt  }
0x45: {  	_ =	shalt  }
0x46: {  	_ =	shalt  }
0x47: {  	_ =	shalt  }
0x48: {  	_ =	shalt  }
0x49: {  	_ =	shalt  }
0x4a: {  	_ =	shalt  }
0x4b: {  	_ =	shalt  }
0x4c: {  	_ =	shalt  }
0x4d: {  	_ =	shalt  }
0x4e: {  	_ =	shalt  }
0x4f: {  	_ =	shalt  }
0x50: {  	_ =	shalt  }
0x51: {  	_ =	shalt  }
0x52: {  	_ =	shalt  }
0x53: {  	_ =	shalt  }
0x54: {  	_ =	shalt  }
0x55: {  	_ =	shalt  }
0x56: {  	_ =	shalt  }
0x57: {  	_ =	shalt  }
0x58: {  	_ =	shalt  }
0x59: {  	_ =	shalt  }
0x5a: {  	_ =	shalt  }
0x5b: {  	_ =	shalt  }
0x5c: {  	_ =	shalt  }
0x5d: {  	_ =	shalt  }
0x5e: {  	_ =	shalt  }
0x5f: {  	_ =	shalt  }
0x60: {  	_ =	shalt  }
0x61: {  	_ =	shalt  }
0x62: {  	_ =	shalt  }
0x63: {  	_ =	shalt  }
0x64: {  	_ =	shalt  }
0x65: {  	_ =	shalt  }
0x66: {  	_ =	shalt  }
0x67: {  	_ =	shalt  }
0x68: {  	_ =	shalt  }
0x69: {  	_ =	shalt  }
0x6a: {  	_ =	shalt  }
0x6b: {  	_ =	shalt  }
0x6c: {  	_ =	shalt  }
0x6d: {  	_ =	shalt  }
0x6e: {  	_ =	shalt  }
0x6f: {  	_ =	shalt  }
0x70: {  	_ =	shalt  }
0x71: {  	_ =	shalt  }
0x72: {  	_ =	shalt  }
0x73: {  	_ =	shalt  }
0x74: {  	_ =	shalt  }
0x75: {  	_ =	shalt  }
0x76: {  	_ =	shalt  }
0x77: {  	_ =	shalt  }
0x78: {  	_ =	shalt  }
0x79: {  	_ =	shalt  }
0x7a: {  	_ =	shalt  }
0x7b: {  	_ =	shalt  }
0x7c: {  	_ =	shalt  }
0x7d: {  	_ =	shalt  }
0x7e: {  	_ =	shalt  }
0x7f: {  	_ =	shalt  }
0x80: {  	_ =	shalt  }
0x81: {  	_ =	shalt  }
0x82: {  	_ =	shalt  }
0x83: {  	_ =	shalt  }
0x84: {  	_ =	shalt  }
0x85: {  	_ =	shalt  }
0x86: {  	_ =	shalt  }
0x87: {  	_ =	shalt  }
.Lfunc_end0:
.L_simem_size_0:
called_computation_lowered:
.L_overlay_start_0:
0x88: {  	s2 =	sld [smem:$0x3FD9]  }
0x89: {  	s3 =	sld [smem:$0x3FFE];
	_ =	sdelay $0x1  }
0x8a: {  	s1 =	srdreg.scid  }
0x8b: {  	s0 =	sand.u32 $0x1, s1  }
0x8c: {  	s15 =	sshll.u32 s0, $0xA;
	s2 =	sadd.s32 s3, s2  }
0x8d: {  	s2 =	sadd.s32 s2, s15  }
0x8e: {  	[smem:$0x3FC5] =	sst s2  }
0x8f: {  	_ = 	snop  }
0x90: {  	s2 =	sld [smem:$0x3FD0]  }
0x91: {  	s16 =	sld [smem:$0x3FC9]  }
0x92: {  	s4 =	sld [smem:$0x3FC8]  }
0x93: {  	s6 =	simm.s32 $0xA;
	s7 =	simm.s32 $0x10;
	s5 =	sld [smem:$0x3FC7]  }
0x94: {  	[smem:s7], [sflag:s6] =	dma.local [hbm:s2], $0x1  }
0x95: {  	_ =	swait.eq [sflag:s6], $0x1  }
0x96: {  	[sflag:s6] =	ssyncset.done $0x0  }
0x97: {  	s17 =	sld [smem:$0x10];
	[sflag:s6] =	ssyncadd.s32 $0xFFFFFFFF  }
0x98: {  	s18 =	sld [smem:$0x11];
	(tm) =	ssettm $0x1  }
0x99: {  	s19 =	sld [smem:$0x3FFB];
	_ =	sdelay $0x3  }
0x9a: {  	_ =	strace s19  }
0x9b: {  	s7 =	sld [smem:$0x3FFC];
	_ =	sdelay $0x3  }
0x9c: {  	_ =	strace s7  }
0x9d: {  	s7 =	sld [smem:$0x3FFD];
	_ =	sdelay $0x3  }
0x9e: {  	_ =	strace s7  }
0x9f: {  	_ =	strace $0x8FFFFFFF  }
0xa0: {  	s20 =	sld [smem:$0x3FDB];
	_ =	sdelay $0x1  }
0xa1: {  	s8 =	simm.s32 $_scs_section_size  }
0xa2: {  	s9 =	simm.s32 $_size__tile_overlayer_lowered;
	s10 =	simm.s32 $_tile_overlayer_lowered  }
0xa3: {  	s23 =	simm.s32 $0x1BFF;
	s22 =	sshll.u32 s10, $0x1;
	s7 =	sadd.s32 s8, s20  }
0xa4: {  	s11 =	simm.s32 $0x0;
	s21 =	sshll.u32 s9, $0x1;
	s9 =	sadd.s32 s22, s7  }
0xa5: {  	[timem:s11], [sflag:s23] =	dma.local [hbm:s9], s21  }
0xa6: {  	_ =	swait.ge [sflag:s23], s21  }
0xa7: {  	s8 =	ssub.s32 $0x0, s21;
	[sflag:s23] =	ssyncset.done $0x0  }
0xa8: {  	[sflag:s23] =	ssyncadd.s32 s8;
	_ =	sdelay $0x1  }
0xa9: {  	s24 =	simm.s32 $0x1B8B  }
0xaa: {  	_ =	swait.ge [sflag:s24], $0x1  }
0xab: {  	[sflag:s24] =	ssyncset.done $0x0  }
0xac: {  	s25 =	simm.s32 $0x1B8E;
	[sflag:s24] =	ssyncadd.s32 $0xFFFFFFFF  }
0xad: {  	s26 =	simm.s32 $execute0_lowered;
	[smem:$0x3FD2] =	sst s25  }
0xae: {  	s8 =	sshll.u32 s26, $0x1;
	_ =	strace $0x80000046;
	[dreg:$0x1] =	wrdreg $0xFFFFFFFF  }
0xaf: {  	s28 =	simm.s32 $_size_execute0_lowered;
	s7 =	sadd.s32 s7, s8;
	[dreg:$0x0] =	wrdreg $0x0  }
0xb0: {  	s8 =	sshll.u32 s28, $0x1;
	[dreg:$0x2] =	wrdreg s7  }
0xb1: {  	[dreg:$0x3] =	wrdreg s8  }
0xb2: {  	[dreg:$0x4] =	wrdreg $0xC0  }
0xb3: {  	_ =	task [dreg:s11], $0x5FFFF  }
0xb4: {  	[dreg:$0x1] =	wrdreg $0xFFFFFFFF  }
0xb5: {  	[dreg:$0x0] =	wrdreg $0x60  }
0xb6: {  	[dreg:$0x2] =	wrdreg s16  }
0xb7: {  	[dreg:$0x3] =	wrdreg s4  }
0xb8: {  	[dreg:$0x4] =	wrdreg s5  }
0xb9: {  	[dreg:$0x5] =	wrdreg s17  }
0xba: {  	[dreg:$0x6] =	wrdreg s18  }
0xbb: {  	[dreg:$0x7] =	wrdreg $0x9  }
0xbc: {  	_ =	task.clear_ibuf [dreg:s11], $0x8FFFF;
	_ =	strace $0x90000046  }
0xbd: {  	s29 =	simm.s32 $0x9;
	_ =	strace $0x80000048  }
0xbe: {  	_ =	swait.ge [sflag:s29], $0x1  }
0xbf: {  	[sflag:s29] =	ssyncadd.s32 $0xFFFFFFFF  }
0xc0: {  	_ =	strace $0x90000048  }
0xc1: {  	_ =	sfence  }
0xc2: {  	s30 =	sld [smem:$0x0];
	_ =	sdelay $0x2  }
0xc3: {  	s31 =	sshll.u32 s1, $0xD;
	s1 =	sshrl.u32 s1, $0x2  }
0xc4: {  	s3 =	sand.u32 $0x4000, s31;
	s1 =	sadd.s32 s1, s30  }
0xc5: {  	s0 =	sor.u32 s3, s0;
	s1 =	sshll.u32 s1, $0x11  }
0xc6: {  	s0 =	sor.u32 s1, s0  }
0xc7: {  	s0 =	sadd.s32 $0x8F2B, s0  }
0xc8: {  	[sflag:s0] =	ssyncadd.remote.s32 $0x1  }
0xc9: {  	_ =	sfence.sel $0xFFFF  }
0xca: {  	[dreg:$0x0] =	wrdreg $0xFFFFFFFF;
	(pc) =	sbr.abs _section_cstart, $3  }
0xcb: {  	[dreg:$0x1] =	wrdreg $0xFFFFFFFF  }
0xcc: {  	_ =	task.clear_ibuf [dreg:s11], $0x2FFFF;
	_ =	strace $0x9FFFFFFF  }
0xcd: {  	(tm) =	ssettm $0x7FFFFFFF  }
tec
execute0_lowered:
.L_overlay_start_1:
0x0: {  	(tag) =	ssettag $0x1  }
0x1: {  	s0 =	rddreg [dreg:$0x0]  }
0x2: {  	s1 =	rddreg [dreg:$0x1]  }
0x3: {  	s4 =	rddreg [dreg:$0x2]  }
0x4: {  	s2 =	srdreg.scid;
	s7 =	rddreg [dreg:$0x3]  }
0x5: {  	s9 =	stileid.u32;
	s3 =	rddreg [dreg:$0x4]  }
0x6: {  	s6 =	simm.s32 $0x0;
	s29 =	simm.s32 $0x9000;
	s2 =	sand.u32 $0x1, s2  }
0x7: {  	s30 =	simm.s32 $0x12000;
	s31 =	simm.s32 $0x2;
	s5 =	sor.u32 s2, s9  }
0x8: {  	[smem:$0x7FF] =	sst s6;
	p1 =	seq.s32 s2, $0x1;
	p0 =	seq.s32 s5, $0x0  }
0x9: {  	s13 =	ssub.s32 $0x2, s2;
	_ =	strace $0x80000047;
	p0 =	por !p0, !p1  }
0xa: {  	s5 =	simm.s32 $0x1;
	s8 =	sshrl.u32 s13, $0x1;
	p0 =	por !p0, !p0  }
0xb: {  	s6 =	sshll.u32 s2, $0x15;
	s8 =	ssub.s32 s13, s8;
	s5 =	simm.s32 @!p0 $0x0  }
0xc: {  	s17 =	sshll.u32 s2, $0xE;
	s28 =	smax.u32 s8, $0x1;
	s9 =	ssub.s32 s9, s5  }
0xd: {  	s8 =	simm.s32 $0x3;
	s5 =	sshrl.u32 s9, $0x3;
	s14 =	sshll.u32 s9, $0x7  }
0xe: {  	[dreg:$0x11] =	wrdreg s28;
	s10 =	sshll.u32 s5, $0xF;
	s12 =	sand.u32 $0x380, s14  }
0xf: {  	s15 =	sshll.u32 s5, $0x11;
	s5 =	simm.s32 $0x1;
	s13 =	sor.u32 s12, s10  }
0x10: {  	s11 =	sor.u32 s12, s15;
	s19 =	sor.u32 s17, s12;
	s21 =	sor.u32 s17, s10  }
0x11: {  	s14 =	sshrl.u32 s13, $0x3;
	s15 =	sshrl.u32 s11, $0x3;
	s18 =	sadd.s32 $0x40000, s11  }
0x12: {  	s11 =	sadd.s32 $0x80000, s11;
	s4 =	sadd.s32 s4, s14;
	s16 =	sadd.s32 s0, s15  }
0x13: {  	s14 =	sshrl.u32 s18, $0x3;
	s11 =	sshrl.u32 s11, $0x3;
	[dreg:$0x6] =	wrdreg s4  }
0x14: {  	s15 =	sor.u32 s10, s19;
	[dreg:$0x7] =	wrdreg s16;
	s14 =	sadd.s32 s0, s14  }
0x15: {  	s0 =	sadd.s32 s0, s11;
	s20 =	sshrl.u32 s15, $0x3;
	s11 =	sshll.u32 s2, $0xB  }
0x16: {  	s4 =	sor.u32 s17, s13;
	s13 =	sshll.u32 s9, $0x16;
	[dreg:$0x8] =	wrdreg s14  }
0x17: {  	s16 =	simm.s32 $0x5000;
	[dreg:$0x9] =	wrdreg s0;
	s0 =	sadd.s32 s7, s20  }
0x18: {  	s4 =	sadd.s32 $0x20000, s4;
	s22 =	sor.u32 s6, s13;
	s20 =	sshll.u32 s9, $0x14  }
0x19: {  	s9 =	simm.s32 $0x4;
	[dreg:$0xa] =	wrdreg s0;
	s0 =	sor.u32 s12, s21  }
0x1a: {  	s4 =	sshrl.u32 s4, $0x3;
	s10 =	sshrl.u32 s22, $0x3;
	s21 =	sshll.u32 s2, $0x13  }
0x1b: {  	s2 =	simm.s32 $0x13000;
	s0 =	sadd.s32 $0x10000, s0;
	s23 =	sadd.s32 s7, s4  }
0x1c: {  	s24 =	sadd.s32 s1, s10;
	s4 =	simm.s32 $0x11000;
	s10 =	simm.s32 $0x0  }
0x1d: {  	s0 =	sshrl.u32 s0, $0x3;
	[dreg:$0xc] =	wrdreg s23;
	s25 =	sadd.s32 $0x10, s24  }
.Ltmp0:
0x1e: {  	s26 =	sadd.s32 $0x20, s24;
	[dreg:$0xd] =	wrdreg s24;
	(pc) =	sbr.rel .LBB2_1-.Ltmp0, $4  }
0x1f: {  	s23 =	simm.s32 $0x80;
	s0 =	sadd.s32 s7, s0;
	[dreg:$0xe] =	wrdreg s25  }
0x20: {  	[dreg:$0xf] =	wrdreg s26;
	s25 =	simm.s32 $0x5;
	s26 =	simm.s32 $0x1000  }
0x21: {  	s7 =	simm.s32 $0x14000;
	[dreg:$0xb] =	wrdreg s0;
	s0 =	sadd.s32 $0x30, s24  }
0x22: {  	s24 =	simm.s32 $0x400;
	[dreg:$0x10] =	wrdreg s0;
	s0 =	simm.s32 $0xD000  }
.LBB2_10:
0x23: {  	_ =	swait.ge [sflag:s8], $0x1000  }
0x24: {  	[sflag:s8] =	ssyncset.done $0x0  }
0x25: {  	[sflag:s8] =	ssyncadd.s32 $0xFFFFF000  }
0x26: {  	_ =	swait.ge [sflag:s8], $0x1000  }
0x27: {  	[sflag:s8] =	ssyncset.done $0x0  }
0x28: {  	[sflag:s8] =	ssyncadd.s32 $0xFFFFF000  }
0x29: {  	_ =	swait.ge [sflag:s9], $0x1000  }
0x2a: {  	[sflag:s9] =	ssyncset.done $0x0  }
0x2b: {  	[sflag:s9] =	ssyncadd.s32 $0xFFFFF000  }
0x2c: {  	_ =	swait.ge [sflag:s9], $0x1000  }
0x2d: {  	s10 =	sadd.s32 $0x1, s10;
	s12 =	rddreg [dreg:$0x11]  }
0x2e: {  	p0 =	sne.s32 s10, s12  }
.Ltmp1:
0x2f: {  	_ = 	snop;
	(pc) =	sbr.rel @!p0 .LBB2_11-.Ltmp1, $3  }
0x30: {  	_ =	sdelay $0x1  }
0x31: {  	[sflag:s9] =	ssyncset.done $0x0  }
0x32: {  	s16 =	simm.s32 $0x5000;
	[sflag:s9] =	ssyncadd.s32 $0xFFFFF000  }
.LBB2_1:
0x33: {  	s12 =	simm.s32 $0x0;
	s14 =	rddreg [dreg:$0x6]  }
0x34: {  	[tilespmem:s12], [sflag:$0x5] =	stream.strided.gather [hbm4b:s14+s23], $0x1000, s24, s23, $0x38;
	[tilespmem:$0x16800] =	vst v63  }
0x35: {  	_ =	swait.ge [sflag:s25], $0x1000  }
0x36: {  	[sflag:s25] =	ssyncset.done $0x0  }
0x37: {  	s19 =	rddreg [dreg:$0x7];
	[sflag:s25] =	ssyncadd.s32 $0xFFFFF000  }
0x38: {  	[tilespmem:s26], [sflag:$0x5] =	stream.strided.gather [hbm4b:s19+s23], $0x4000, s24, s23, $0x38;
	[tilespmem:$0x16800] =	vst v63  }
0x39: {  	_ =	swait.ge [sflag:s25], $0x4000  }
0x3a: {  	[sflag:s25] =	ssyncset.done $0x0  }
0x3b: {  	s22 =	rddreg [dreg:$0x8];
	[sflag:s25] =	ssyncadd.s32 $0xFFFFC000  }
0x3c: {  	[tilespmem:s16], [sflag:$0x5] =	stream.strided.gather [hbm4b:s22+s23], $0x4000, s24, s23, $0x38;
	[tilespmem:$0x16800] =	vst v63  }
0x3d: {  	_ =	swait.ge [sflag:s25], $0x4000  }
0x3e: {  	[sflag:s25] =	ssyncset.done $0x0  }
0x3f: {  	s28 =	rddreg [dreg:$0x9];
	[sflag:s25] =	ssyncadd.s32 $0xFFFFC000  }
0x40: {  	[tilespmem:s29], [sflag:$0x5] =	stream.strided.gather [hbm4b:s28+s23], $0x4000, s24, s23, $0x38;
	[tilespmem:$0x16800] =	vst v63  }
0x41: {  	_ =	swait.ge [sflag:s25], $0x4000  }
0x42: {  	s15 =	simm.s32 $0x30;
	[sflag:s25] =	ssyncset.done $0x0  }
0x43: {  	s12 =	simm.s32 $0xFFFFFFFC;
	s14 =	simm.s32 $0x15820;
	[sflag:s25] =	ssyncadd.s32 $0xFFFFC000  }
.LBB2_2:
0x44: {  	s17 =	sadd.s32 $0xFFFFFFD0, s15  }
0x45: {  	s18 =	sand.u32 $0x780, s17  }
0x46: {  	s17 =	sand.u32 $0x40, s17;
	s19 =	sadd.s32 s18, s11  }
0x47: {  	s22 =	sadd.s32 s17, s19  }
0x48: {  	v0 =	vld [tilespmem:s22+$0x0];
	_ =	sdelay $0x7  }
0x49: {  	v1 =	vld.idx.msk [tilespmem:v0+s26+$0x0], $0xffff  }
0x4a: {  	v2 =	vadd.s32 $0x4000, v0;
	_ =	sdelay $0x3  }
0x4b: {  	[tilespmem:s14+$0xFFFFF7E0] =	vst v1  }
0x4c: {  	v1 =	vld.idx.msk [tilespmem:v2+s26+$0x0], $0xffff  }
0x4d: {  	v0 =	vadd.s32 $0x8000, v0;
	_ =	sdelay $0x2  }
0x4e: {  	s17 =	sor.u32 s17, s18  }
0x4f: {  	[tilespmem:s17+$0x15800] =	vst v1  }
0x50: {  	v0 =	vld.idx.msk [tilespmem:v0+s26+$0x0], $0xffff;
	_ =	sdelay $0x2  }
0x51: {  	s28 =	sadd.s32 $0xFFFFFFE0, s15  }
0x52: {  	s18 =	sand.u32 $0x50, s28  }
0x53: {  	s18 =	sadd.s32 s18, s19;
	[tilespmem:s17+$0x16000] =	vst v0  }
0x54: {  	v0 =	vld [tilespmem:s18+$0x0];
	_ =	sdelay $0x7  }
0x55: {  	v1 =	vld.idx.msk [tilespmem:v0+s26+$0x0], $0xffff  }
0x56: {  	v61 =	vadd.s32 $0x4000, v0;
	_ =	sdelay $0x3  }
0x57: {  	[tilespmem:s14+$0xFFFFF7F0] =	vst v1  }
0x58: {  	v1 =	vld.idx.msk [tilespmem:v61+s26+$0x0], $0xffff  }
0x59: {  	v0 =	vadd.s32 $0x8000, v0;
	_ =	sdelay $0x3  }
0x5a: {  	[tilespmem:s14+$0xFFFFFFF0] =	vst v1  }
0x5b: {  	v0 =	vld.idx.msk [tilespmem:v0+s26+$0x0], $0xffff;
	_ =	sdelay $0x2  }
0x5c: {  	s22 =	sadd.s32 $0xFFFFFFF0, s15  }
0x5d: {  	s17 =	sand.u32 $0x60, s22  }
0x5e: {  	s17 =	sadd.s32 s17, s19;
	[tilespmem:s14+$0x7F0] =	vst v0  }
0x5f: {  	v0 =	vld [tilespmem:s17+$0x0];
	_ =	sdelay $0x7  }
0x60: {  	v1 =	vld.idx.msk [tilespmem:v0+s26+$0x0], $0xffff  }
0x61: {  	v62 =	vadd.s32 $0x4000, v0;
	_ =	sdelay $0x3  }
0x62: {  	[tilespmem:s14+$0xFFFFF800] =	vst v1  }
0x63: {  	v1 =	vld.idx.msk [tilespmem:v62+s26+$0x0], $0xffff  }
0x64: {  	v0 =	vadd.s32 $0x8000, v0;
	_ =	sdelay $0x3  }
0x65: {  	[tilespmem:s14+$0x0] =	vst v1  }
0x66: {  	v0 =	vld.idx.msk [tilespmem:v0+s26+$0x0], $0xffff;
	_ =	sdelay $0x3  }
0x67: {  	s28 =	sand.u32 $0x70, s15  }
0x68: {  	s17 =	sadd.s32 s28, s19;
	[tilespmem:s14+$0x800] =	vst v0  }
0x69: {  	v0 =	vld [tilespmem:s17+$0x0];
	_ =	sdelay $0x7  }
0x6a: {  	v1 =	vld.idx.msk [tilespmem:v0+s26+$0x0], $0xffff  }
0x6b: {  	v63 =	vadd.s32 $0x4000, v0;
	_ =	sdelay $0x3  }
0x6c: {  	[tilespmem:s14+$0xFFFFF810] =	vst v1  }
0x6d: {  	v1 =	vld.idx.msk [tilespmem:v63+s26+$0x0], $0xffff  }
0x6e: {  	v0 =	vadd.s32 $0x8000, v0;
	_ =	sdelay $0x3  }
0x6f: {  	s12 =	sadd.s32 $0x4, s12;
	[tilespmem:s14+$0x10] =	vst v1  }
0x70: {  	p0 =	slt.u32 s12, $0x7C;
	v0 =	vld.idx.msk [tilespmem:v0+s26+$0x0], $0xffff  }
.Ltmp2:
0x71: {  	_ = 	snop;
	(pc) =	sbr.rel @p0 .LBB2_2-.Ltmp2, $2  }
0x72: {  	_ =	sdelay $0x2  }
0x73: {  	s15 =	sadd.s32 $0x40, s15;
	[tilespmem:s14+$0x810] =	vst v0;
	s14 =	sadd.s32 $0x40, s14  }
0x74: {  	s12 =	rddreg [dreg:$0xa];
	s14 =	simm.s32 $0x15000  }
0x75: {  	[hbm4b:s12+s23] =	stream.strided.scatter [tilespmem:s14], [sflag:$0x5], $0x800, s24, s23, $0x38;
	[tilespmem:$0x16800] =	vst v63  }
0x76: {  	_ =	swait.ge [sflag:s25], $0x800  }
0x77: {  	[sflag:s25] =	ssyncset.done $0x0  }
0x78: {  	s28 =	simm.s32 $0x15800;
	s22 =	rddreg [dreg:$0xb];
	[sflag:s25] =	ssyncadd.s32 $0xFFFFF800  }
0x79: {  	[hbm4b:s22+s23] =	stream.strided.scatter [tilespmem:s28], [sflag:$0x5], $0x800, s24, s23, $0x38;
	[tilespmem:$0x16800] =	vst v63  }
0x7a: {  	_ =	swait.ge [sflag:s25], $0x800  }
0x7b: {  	[sflag:s25] =	ssyncset.done $0x0  }
0x7c: {  	s17 =	simm.s32 $0x16000;
	s15 =	rddreg [dreg:$0xc];
	[sflag:s25] =	ssyncadd.s32 $0xFFFFF800  }
0x7d: {  	[hbm4b:s15+s23] =	stream.strided.scatter [tilespmem:s17], [sflag:$0x5], $0x800, s24, s23, $0x38;
	[tilespmem:$0x16800] =	vst v63  }
0x7e: {  	_ =	swait.ge [sflag:s25], $0x800  }
0x7f: {  	[sflag:s25] =	ssyncset.done $0x0  }
0x80: {  	s18 =	rddreg [dreg:$0xd];
	[sflag:s25] =	ssyncadd.s32 $0xFFFFF800  }
0x81: {  	[tilespmem:s26], [sflag:$0x1] =	stream.strided.gather [hbm4b:s18+s23], $0x4000, s24, s23, $0x38;
	[tilespmem:$0x16800] =	vst v63  }
0x82: {  	s19 =	rddreg [dreg:$0xe]  }
0x83: {  	[tilespmem:s16], [sflag:$0x1] =	stream.strided.gather [hbm4b:s19+s23], $0x4000, s24, s23, $0x38;
	[tilespmem:$0x16800] =	vst v63  }
0x84: {  	s22 =	rddreg [dreg:$0xf]  }
0x85: {  	[tilespmem:s29], [sflag:$0x2] =	stream.strided.gather [hbm4b:s22+s23], $0x4000, s24, s23, $0x38;
	[tilespmem:$0x16800] =	vst v63  }
0x86: {  	s12 =	simm.s32 $0x0;
	s28 =	rddreg [dreg:$0x10]  }
0x87: {  	[tilespmem:s0], [sflag:$0x2] =	stream.strided.gather [hbm4b:s28+s23], $0x4000, s24, s23, $0x38;
	[tilespmem:$0x16800] =	vst v63  }
.LBB2_4:
0x88: {  	_ =	swait.ge [sflag:s5], $0x4000  }
0x89: {  	[sflag:s5] =	ssyncset.done $0x0  }
0x8a: {  	[sflag:s5] =	ssyncadd.s32 $0xFFFFC000  }
0x8b: {  	_ =	swait.ge [sflag:s5], $0x4000  }
0x8c: {  	p0 =	seq.s32 s12, $0x0;
	[sflag:s5] =	ssyncset.done $0x0  }
0x8d: {  	s17 =	simm.s32 @!p0 $0x3;
	[sflag:s5] =	ssyncadd.s32 $0xFFFFC000  }
0x8e: {  	_ =	swait.ge @!p0 [sflag:s17], $0x1000  }
0x8f: {  	[sflag:s17] =	ssyncset.done @!p0 $0x0  }
0x90: {  	s14 =	sshll.u32 s12, $0x1;
	[sflag:s17] =	ssyncadd.s32 @!p0 $0xFFFFF000  }
0x91: {  	s15 =	sshll.u32 s12, $0x9;
	s18 =	simm.s32 $0x11000;
	_ =	swait.ge @!p0 [sflag:s17], $0x1000  }
0x92: {  	s19 =	simm.s32 $0x20;
	s22 =	simm.s32 $0x0;
	[sflag:s17] =	ssyncset.done @!p0 $0x0  }
0x93: {  	s15 =	sand.u32 $0x200, s15;
	[sflag:s17] =	ssyncadd.s32 @!p0 $0xFFFFF000;
	s17 =	simm.s32 $0xFFFFFFFC  }
.LBB2_5:
0x94: {  	v0 =	vld [tilespmem:s19+$0xFFFFFFE0];
	_ =	sdelay $0x7  }
0x95: {  	v1 =	vld.idx.msk [tilespmem:v0+s26+$0x0], $0xffff  }
0x96: {  	v0 =	vadd.s32 $0x4000, v0;
	_ =	sdelay $0x3  }
0x97: {  	[tilespmem:s18+$0x0] =	vst v1  }
0x98: {  	v0 =	vld.idx.msk [tilespmem:v0+s26+$0x0], $0xffff;
	_ =	sdelay $0x3  }
0x99: {  	s28 =	sand.u32 $0xFC0, s22  }
0x9a: {  	[tilespmem:s28+$0x12000] =	vst v0  }
0x9b: {  	v0 =	vld [tilespmem:s19+$0xFFFFFFF0];
	_ =	sdelay $0x7  }
0x9c: {  	v1 =	vld.idx.msk [tilespmem:v0+s26+$0x0], $0xffff  }
0x9d: {  	v0 =	vadd.s32 $0x4000, v0;
	_ =	sdelay $0x3  }
0x9e: {  	[tilespmem:s18+$0x10] =	vst v1  }
0x9f: {  	v0 =	vld.idx.msk [tilespmem:v0+s26+$0x0], $0xffff;
	_ =	sdelay $0x4  }
0xa0: {  	[tilespmem:s18+$0x1010] =	vst v0  }
0xa1: {  	v0 =	vld [tilespmem:s19+$0x0];
	_ =	sdelay $0x7  }
0xa2: {  	v1 =	vld.idx.msk [tilespmem:v0+s26+$0x0], $0xffff  }
0xa3: {  	v0 =	vadd.s32 $0x4000, v0;
	_ =	sdelay $0x3  }
0xa4: {  	[tilespmem:s18+$0x20] =	vst v1  }
0xa5: {  	v0 =	vld.idx.msk [tilespmem:v0+s26+$0x0], $0xffff;
	_ =	sdelay $0x4  }
0xa6: {  	[tilespmem:s18+$0x1020] =	vst v0  }
0xa7: {  	v0 =	vld [tilespmem:s19+$0x10];
	_ =	sdelay $0x7  }
0xa8: {  	v1 =	vld.idx.msk [tilespmem:v0+s26+$0x0], $0xffff  }
0xa9: {  	v0 =	vadd.s32 $0x4000, v0;
	_ =	sdelay $0x3  }
0xaa: {  	s17 =	sadd.s32 $0x4, s17;
	[tilespmem:s18+$0x30] =	vst v1  }
0xab: {  	p1 =	slt.u32 s17, $0xFC;
	v0 =	vld.idx.msk [tilespmem:v0+s26+$0x0], $0xffff  }
.Ltmp3:
0xac: {  	_ = 	snop;
	(pc) =	sbr.rel @p1 .LBB2_5-.Ltmp3, $2  }
0xad: {  	_ =	sdelay $0x2  }
0xae: {  	s22 =	sadd.s32 $0x40, s22;
	s19 =	sadd.s32 $0x40, s19;
	[tilespmem:s18+$0x1030] =	vst v0;
	s18 =	sadd.s32 $0x40, s18  }
0xaf: {  	s17 =	sshll.u32 s12, $0xE  }
0xb0: {  	s17 =	sand.u32 $0x78000, s17  }
0xb1: {  	s18 =	sor.u32 s20, s15;
	s17 =	sor.u32 s21, s17  }
0xb2: {  	s18 =	sor.u32 s17, s18  }
0xb3: {  	s18 =	sshrl.u32 s18, $0x3  }
0xb4: {  	s18 =	sadd.s32 s3, s18  }
0xb5: {  	[hbm4b:s18+s23] =	stream.strided.scatter [tilespmem:s4], [sflag:$0x3], $0x1000, s24, s23, $0x38;
	[tilespmem:$0x16800] =	vst v63  }
0xb6: {  	p1 =	seq.s32 s12, $0x1F;
	s18 =	sadd.s32 $0x10, s18  }
0xb7: {  	[hbm4b:s18+s23] =	stream.strided.scatter [tilespmem:s30], [sflag:$0x3], $0x1000, s24, s23, $0x38;
	[tilespmem:$0x16800] =	vst v63  }
0xb8: {  	s18 =	sadd.s32 @!p1 $0x2, s14  }
0xb9: {  	s19 =	sshll.u32 @!p1 s18, $0xF  }
0xba: {  	s19 =	sadd.s32 @!p1 s6, s19  }
0xbb: {  	s18 =	sshll.u32 @!p1 s18, $0x8;
	s19 =	sand.u32 @!p1 $0x7E0000, s19  }
0xbc: {  	s18 =	sand.u32 @!p1 $0x200, s18;
	s19 =	sadd.s32 @!p1 s13, s19  }
0xbd: {  	s18 =	sor.u32 @!p1 s18, s19  }
0xbe: {  	s22 =	simm.s32 @!p1 $0x400;
	s18 =	sshrl.u32 @!p1 s18, $0x3  }
0xbf: {  	s28 =	simm.s32 @!p1 $0x1000;
	s19 =	simm.s32 @!p1 $0x80;
	s18 =	sadd.s32 @!p1 s1, s18  }
0xc0: {  	[tilespmem:s28], [sflag:$0x1] =	stream.strided.gather @!p1 [hbm4b:s18+s19], $0x4000, s22, s19, $0x38;
	[tilespmem:$0x16800] =	vst v63  }
0xc1: {  	s18 =	sadd.s32 @!p1 $0x10, s18;
	s28 =	simm.s32 @!p1 $0x5000  }
0xc2: {  	[tilespmem:s28], [sflag:$0x1] =	stream.strided.gather @!p1 [hbm4b:s18+s19], $0x4000, s22, s19, $0x38;
	[tilespmem:$0x16800] =	vst v63  }
0xc3: {  	_ =	swait.ge [sflag:s31], $0x4000  }
0xc4: {  	[sflag:s31] =	ssyncset.done $0x0  }
0xc5: {  	[sflag:s31] =	ssyncadd.s32 $0xFFFFC000  }
0xc6: {  	_ =	swait.ge [sflag:s31], $0x4000  }
0xc7: {  	[sflag:s31] =	ssyncset.done $0x0  }
0xc8: {  	s18 =	simm.s32 @!p0 $0x4;
	[sflag:s31] =	ssyncadd.s32 $0xFFFFC000  }
0xc9: {  	_ =	swait.ge @!p0 [sflag:s18], $0x1000  }
0xca: {  	[sflag:s18] =	ssyncset.done @!p0 $0x0  }
0xcb: {  	[sflag:s18] =	ssyncadd.s32 @!p0 $0xFFFFF000  }
0xcc: {  	_ =	swait.ge @!p0 [sflag:s18], $0x1000  }
0xcd: {  	s19 =	simm.s32 $0x20;
	s22 =	simm.s32 $0x0;
	[sflag:s18] =	ssyncset.done @!p0 $0x0  }
0xce: {  	s28 =	simm.s32 $0x14030;
	[sflag:s18] =	ssyncadd.s32 @!p0 $0xFFFFF000;
	s18 =	simm.s32 $0xFFFFFFFC  }
.LBB2_7:
0xcf: {  	v0 =	vld [tilespmem:s19+$0xFFFFFFE0];
	_ =	sdelay $0x4  }
0xd0: {  	v1 =	vadd.s32 $0x8000, v0;
	_ =	sdelay $0x4  }
0xd1: {  	v1 =	vld.idx.msk [tilespmem:v1+s26+$0x0], $0xffff  }
0xd2: {  	v0 =	vadd.s32 $0xC000, v0;
	_ =	sdelay $0x2  }
0xd3: {  	s16 =	sand.u32 $0xFC0, s22  }
0xd4: {  	[tilespmem:s16+$0x13000] =	vst v1  }
0xd5: {  	v0 =	vld.idx.msk [tilespmem:v0+s26+$0x0], $0xffff;
	_ =	sdelay $0x4  }
0xd6: {  	[tilespmem:s16+$0x14000] =	vst v0  }
0xd7: {  	v0 =	vld [tilespmem:s19+$0xFFFFFFF0];
	_ =	sdelay $0x4  }
0xd8: {  	v61 =	vadd.s32 $0x8000, v0;
	_ =	sdelay $0x4  }
0xd9: {  	v1 =	vld.idx.msk [tilespmem:v61+s26+$0x0], $0xffff  }
0xda: {  	v0 =	vadd.s32 $0xC000, v0;
	_ =	sdelay $0x3  }
0xdb: {  	[tilespmem:s28+$0xFFFFEFE0] =	vst v1  }
0xdc: {  	v0 =	vld.idx.msk [tilespmem:v0+s26+$0x0], $0xffff;
	_ =	sdelay $0x4  }
0xdd: {  	[tilespmem:s28+$0xFFFFFFE0] =	vst v0  }
0xde: {  	v0 =	vld [tilespmem:s19+$0x0];
	_ =	sdelay $0x4  }
0xdf: {  	v62 =	vadd.s32 $0x8000, v0;
	_ =	sdelay $0x4  }
0xe0: {  	v1 =	vld.idx.msk [tilespmem:v62+s26+$0x0], $0xffff  }
0xe1: {  	v0 =	vadd.s32 $0xC000, v0;
	_ =	sdelay $0x3  }
0xe2: {  	[tilespmem:s28+$0xFFFFEFF0] =	vst v1  }
0xe3: {  	v0 =	vld.idx.msk [tilespmem:v0+s26+$0x0], $0xffff;
	_ =	sdelay $0x4  }
0xe4: {  	[tilespmem:s28+$0xFFFFFFF0] =	vst v0  }
0xe5: {  	v0 =	vld [tilespmem:s19+$0x10];
	_ =	sdelay $0x4  }
0xe6: {  	v63 =	vadd.s32 $0x8000, v0;
	_ =	sdelay $0x4  }
0xe7: {  	v1 =	vld.idx.msk [tilespmem:v63+s26+$0x0], $0xffff  }
0xe8: {  	v0 =	vadd.s32 $0xC000, v0;
	_ =	sdelay $0x3  }
0xe9: {  	s18 =	sadd.s32 $0x4, s18;
	[tilespmem:s28+$0xFFFFF000] =	vst v1  }
0xea: {  	p0 =	slt.u32 s18, $0xFC;
	v0 =	vld.idx.msk [tilespmem:v0+s26+$0x0], $0xffff  }
.Ltmp4:
0xeb: {  	_ = 	snop;
	(pc) =	sbr.rel @p0 .LBB2_7-.Ltmp4, $2  }
0xec: {  	_ =	sdelay $0x2  }
0xed: {  	s22 =	sadd.s32 $0x40, s22;
	s19 =	sadd.s32 $0x40, s19;
	[tilespmem:s28+$0x0] =	vst v0;
	s28 =	sadd.s32 $0x40, s28  }
0xee: {  	s16 =	sor.u32 s20, s17  }
0xef: {  	s15 =	sor.u32 s16, s15  }
0xf0: {  	s15 =	sshrl.u32 s15, $0x3  }
.Ltmp5:
0xf1: {  	s15 =	sadd.s32 s15, s3;
	(pc) =	sbr.rel @p1 .LBB2_10-.Ltmp5, $4  }
0xf2: {  	s28 =	sadd.s32 $0x20, s15  }
0xf3: {  	[hbm4b:s28+s23] =	stream.strided.scatter [tilespmem:s2], [sflag:$0x4], $0x1000, s24, s23, $0x38;
	[tilespmem:$0x16800] =	vst v63  }
0xf4: {  	s15 =	sadd.s32 $0x30, s15  }
0xf5: {  	[hbm4b:s15+s23] =	stream.strided.scatter [tilespmem:s7], [sflag:$0x4], $0x1000, s24, s23, $0x38;
	[tilespmem:$0x16800] =	vst v63  }
0xf6: {  	s14 =	sadd.s32 $0x3, s14  }
0xf7: {  	s15 =	sshll.u32 s14, $0xF  }
0xf8: {  	s15 =	sadd.s32 s6, s15  }
0xf9: {  	s14 =	sshll.u32 s14, $0x8;
	s15 =	sand.u32 $0x7E0000, s15  }
0xfa: {  	s14 =	sand.u32 $0x300, s14;
	s15 =	sadd.s32 s13, s15  }
0xfb: {  	s14 =	sor.u32 s14, s15  }
.Ltmp6:
0xfc: {  	s14 =	sshrl.u32 s14, $0x3;
	(pc) =	sbr.rel .LBB2_4-.Ltmp6, $4  }
0xfd: {  	s14 =	sadd.s32 s1, s14  }
0xfe: {  	[tilespmem:s29], [sflag:$0x2] =	stream.strided.gather [hbm4b:s14+s23], $0x4000, s24, s23, $0x38;
	[tilespmem:$0x16800] =	vst v63  }
0xff: {  	s12 =	sadd.s32 $0x1, s12;
	s14 =	sadd.s32 $0x10, s14  }
0x100: {  	[tilespmem:s0], [sflag:$0x2] =	stream.strided.gather [hbm4b:s14+s23], $0x4000, s24, s23, $0x38;
	[tilespmem:$0x16800] =	vst v63  }
.LBB2_11:
0x101: {  	_ =	sfence.sel $0x180000  }
0x102: {  	[bflag:$0x0] =	sbarrier.arrive $0xFFFF  }
0x103: {  	_ =	strace $0x90000047  }
0x104: {  	s0 =	stileid.u32;
	[bflag:$0x2] =	sbarrier.arrive $0xFFFF  }
0x105: {  	p0 =	sne.s32 s0, $0x0;
	s0 =	rddreg [dreg:$0x5]  }
0x106: {  	s0 =	sadd.s32 @!p0 $0x100000, s0  }
0x107: {  	[sflag:s0] =	ssyncadd.tile.s32 @!p0 $0x1;
	_ =	shalt  }
.Lfunc_end2:
_tile_overlayer_lowered:
.L_overlay_start_2:
0x108: {  	(tag) =	ssettag $0x2  }
0x109: {  	s0 =	rddreg [dreg:$0x0];
	s2 =	stileid.u32  }
0x10a: {  	s1 =	rddreg [dreg:$0x1];
	p0 =	sne.s32 s2, $0x0  }
0x10b: {  	s3 =	rddreg [dreg:$0x2];
	[bflag:$0x3] =	sbarrier.arrive $0xFFFF;
	s2 =	simm.s32 @!p0 $0x1C05  }
0x10c: {  	[timem:s3], [sflag:s2] =	dma.local @!p0 [hbm:s0], s1  }
0x10d: {  	s0 =	simm.s32 @!p0 $0x5  }
0x10e: {  	_ =	swait.ge @!p0 [sflag:s0], s1  }
0x10f: {  	s1 =	ssub.s32 @!p0 $0x0, s1;
	[sflag:s0] =	ssyncset.done @!p0 $0x0  }
0x110: {  	[sflag:s0] =	ssyncadd.s32 @!p0 s1  }
0x111: {  	[bflag:$0x3] =	sbarrier.arrive $0xFFFF  }
0x112: {  	_ =	shalt  }

</sc_bundles>
